<compile_context>
chip_gen: v7x
topology: tpu7x:2x2x1
jax: 0.10.2.dev20260603
libtpu: 0.0.44.dev20260713+nightly
codegen_flags: <defaults>
</compile_context>

<pallas_src>
import functools

import jax
import jax.numpy as jnp
from jax import lax
from jax.experimental import pallas as pl
from jax.experimental.pallas import tpu as pltpu
from jax.experimental.pallas import tpu_sc as plsc

_B = 81920
_D = 1000
_NC = 2
_NS = 16
_NW = _NC * _NS
_BPW = _B // _NW
_W = 128
_NSLAB = _BPW // _W
_L = 16
_RA = 496
_RB = _D - _RA

_mesh = plsc.VectorSubcoreMesh(core_axis_name="c", subcore_axis_name="s")


@functools.partial(
    pl.kernel,
    out_type=jax.ShapeDtypeStruct((_D, _B), jnp.float32),
    mesh=_mesh,
    scratch_types=[
        pltpu.VMEM((_BPW,), jnp.int32),
        pltpu.VMEM((_RA, _W), jnp.float32),
        pltpu.VMEM((_RB, _W), jnp.float32),
        pltpu.SemaphoreType.DMA,
        pltpu.SemaphoreType.DMA,
        pltpu.SemaphoreType.DMA,
    ],
    compiler_params=pltpu.CompilerParams(
        needs_layout_passes=False, use_tc_tiling_on_sc=True,
        disable_bounds_checks=True),
)
def _onehot_sc(idx_hbm, out_hbm, idx_v, buf_a, buf_b, sem_a, sem_b, sem_i):
    wid = lax.axis_index("s") * _NC + lax.axis_index("c")
    base = wid * _BPW
    idx_cp = pltpu.make_async_copy(idx_hbm.at[pl.ds(base, _BPW)], idx_v, sem_i)
    idx_cp.start()

    lane = lax.iota(jnp.int32, _L)
    ones = jnp.ones((_L,), jnp.float32)
    zeros = jnp.zeros((_L,), jnp.float32)

    def _zero_fill(r4, carry):
        for dr in range(4):
            for g in range(_W // _L):
                buf_a[r4 * 4 + dr, pl.ds(g * _L, _L)] = zeros
        return carry

    def _zero_fill_b(r4, carry):
        for dr in range(4):
            for g in range(_W // _L):
                buf_b[r4 * 4 + dr, pl.ds(g * _L, _L)] = zeros
        return carry

    def _scatter(buf, s, val):
        lo = 0 if buf is buf_a else _RA
        hi = _RA if buf is buf_a else _D
        for g in range(_W // _L):
            buckets = idx_v[pl.ds(s * _W + g * _L, _L)]
            m = (buckets >= lo) & (buckets < hi)
            row = jnp.clip(buckets - lo, 0, (hi - lo) - 1)
            plsc.store_scatter(buf, [row, (g * _L) + lane], val, mask=m)

    def _start(buf, sem, s):
        r0, nr = (0, _RA) if buf is buf_a else (_RA, _RB)
        pltpu.make_async_copy(
            buf,
            out_hbm.at[pl.ds(r0, nr), pl.ds(base + s * _W, _W)],
            sem).start()

    def _wait(buf, sem, s):
        r0, nr = (0, _RA) if buf is buf_a else (_RA, _RB)
        pltpu.make_async_copy(
            buf,
            out_hbm.at[pl.ds(r0, nr), pl.ds(base + s * _W, _W)],
            sem).wait()

    lax.fori_loop(0, _RA // 4, _zero_fill, 0)
    idx_cp.wait()
    _scatter(buf_a, 0, ones)
    _start(buf_a, sem_a, 0)
    lax.fori_loop(0, _RB // 4, _zero_fill_b, 0)
    _scatter(buf_b, 0, ones)
    _start(buf_b, sem_b, 0)

    def _body(s, carry):
        _wait(buf_a, sem_a, s - 1)
        _scatter(buf_a, s - 1, zeros)
        _scatter(buf_a, s, ones)
        _start(buf_a, sem_a, s)
        _wait(buf_b, sem_b, s - 1)
        _scatter(buf_b, s - 1, zeros)
        _scatter(buf_b, s, ones)
        _start(buf_b, sem_b, s)
        return carry

    lax.fori_loop(1, _NSLAB, _body, 0)

    _wait(buf_a, sem_a, _NSLAB - 1)
    _wait(buf_b, sem_b, _NSLAB - 1)


def kernel(x, table):
    del table
    out_t = _onehot_sc(x.reshape(-1))
    return out_t.T

# --- scband reference (transcript-rebuilt; emitter-appended) ---
"""Pipeline reference for scband-nhot-encoding-layer-65369402245699 (READ-ONLY COPY).

The authoritative reference and input builder live on the scoring server;
editing this copy changes nothing except your own understanding.
"""

import jax, jax.numpy as jnp
import numpy as np

NUM_BUCKETS = 1000
BATCH = 4096
HIST = 20

def setup_inputs(seed: int = 0) -> dict:
    key = jax.random.key(seed)
    x = jax.random.randint(key, (BATCH, HIST), 0, NUM_BUCKETS, dtype=jnp.int32)
    # Frozen identity embedding table (EmbeddingBag.from_pretrained(torch.eye(N), freeze=True))
    table = jnp.eye(NUM_BUCKETS, NUM_BUCKETS, dtype=jnp.float32)
    return {"x": x, "table": table}

def reference(x, table):
    # torch path: len(x.shape) > 1 -> embedding_table(x.view(-1, 1))
    # EmbeddingBag with bags of size 1 and mode='sum' == plain row gather.
    flat = x.reshape(-1)
    out = jnp.take(table, flat, axis=0)  # [B*L, num_buckets] one-hot rows
    return out

if __name__ == "__main__":
    import jax
    _d = setup_inputs()
    print(jax.jit(kernel)(*tuple(_d.values())))

</pallas_src>

<mosaic_0001>
#map = affine_map<(d0, d1) -> (0)>
#map1 = affine_map<(d0, d1) -> (0, 0)>
module attributes {stable_mosaic.version = 14 : i64} {
  func.func @_onehot_sc(%arg0: i32, %arg1: i32, %arg2: memref<81920xi32, #tpu.memory_space<hbm>>, %arg3: memref<1000x81920xf32, #tpu.memory_space<hbm>>, %arg4: memref<2560xi32, #tpu.memory_space<vmem>>, %arg5: memref<496x128xf32, #tpu.memory_space<vmem>>, %arg6: memref<504x128xf32, #tpu.memory_space<vmem>>, %arg7: memref<!tpu.dma_semaphore, #tpu.memory_space<semaphore_mem>>, %arg8: memref<!tpu.dma_semaphore, #tpu.memory_space<semaphore_mem>>, %arg9: memref<!tpu.dma_semaphore, #tpu.memory_space<semaphore_mem>>) attributes {dimension_semantics = [#tpu.dimension_semantics<core_parallel>, #tpu.dimension_semantics<subcore_parallel>], iteration_bounds = array<i64: 2, 16>, scalar_prefetch = 0 : i64, scratch_operands = 6 : i64, tpu.core_type = #tpu.core_type<sc_vector_subcore>, window_params = [{transform_indices = #map}, {transform_indices = #map1}]} {
    %mul3A = arith.constant 2 : i32
    %mul3A_0 = arith.muli %arg1, %mul3A : i32
    %add3A = arith.addi %mul3A_0, %arg0 : i32
    %mul3A_1 = arith.constant 2560 : i32
    %mul3A_2 = arith.muli %add3A, %mul3A_1 : i32
    %dma_start3A = tpu.memref_slice %arg2[%mul3A_2] : memref<81920xi32, #tpu.memory_space<hbm>> -> memref<2560xi32, #tpu.memory_space<hbm>>
    %dma_start3A_3 = tpu.memref_slice %arg2[%mul3A_2] : memref<81920xi32, #tpu.memory_space<hbm>> -> memref<2560xi32, #tpu.memory_space<hbm>>
    tpu.enqueue_dma source(%dma_start3A_3 : memref<2560xi32, #tpu.memory_space<hbm>>) target(%arg4 : memref<2560xi32, #tpu.memory_space<vmem>>) target_semaphore(%arg9 : memref<!tpu.dma_semaphore, #tpu.memory_space<semaphore_mem>>)
    %iota3A = tpu.iota {dimensions = array<i32: 0>} : vector<16xi32>
    %broadcast_in_dim3A = arith.constant 1.000000e+00 : f32
    %broadcast_in_dim3A_4 = vector.broadcast %broadcast_in_dim3A : f32 to vector<16xf32>
    %broadcast_in_dim3A_5 = arith.constant 0.000000e+00 : f32
    %broadcast_in_dim3A_6 = vector.broadcast %broadcast_in_dim3A_5 : f32 to vector<16xf32>
    %scan3A = arith.constant 0 : i32
    %scan3A_7 = arith.constant 0 : i32
    %scan3A_8 = arith.constant 124 : i32
    %scan3A_9 = arith.addi %scan3A_7, %scan3A_8 : i32
    %scan3A_10 = arith.constant 1 : i32
    scf.for %scan3A_377 = %scan3A_7 to %scan3A_9 step %scan3A_10  : i32 {
      %mul3A_378 = arith.constant 4 : i32
      %mul3A_379 = arith.muli %scan3A_377, %mul3A_378 : i32
      %add3A_380 = arith.constant 0 : i32
      %add3A_381 = arith.addi %mul3A_379, %add3A_380 : i32
      %swap3A = arith.index_cast %add3A_381 : i32 to index
      %swap3A_382 = arith.constant 0 : index
      %swap3A_383 = tpu.vector_load %arg5[%swap3A, %swap3A_382] {strides = array<i32>} : memref<496x128xf32, #tpu.memory_space<vmem>>, vector<16xf32>,
      tpu.vector_store %arg5[%swap3A, %swap3A_382], %broadcast_in_dim3A_6 {strides = array<i32>} : memref<496x128xf32, #tpu.memory_space<vmem>>, vector<16xf32>,
      %mul3A_384 = arith.constant 4 : i32
      %mul3A_385 = arith.muli %scan3A_377, %mul3A_384 : i32
      %add3A_386 = arith.constant 0 : i32
      %add3A_387 = arith.addi %mul3A_385, %add3A_386 : i32
      %swap3A_388 = arith.index_cast %add3A_387 : i32 to index
      %swap3A_389 = arith.constant 16 : index
      %swap3A_390 = tpu.vector_load %arg5[%swap3A_388, %swap3A_389] {strides = array<i32>} : memref<496x128xf32, #tpu.memory_space<vmem>>, vector<16xf32>,
      tpu.vector_store %arg5[%swap3A_388, %swap3A_389], %broadcast_in_dim3A_6 {strides = array<i32>} : memref<496x128xf32, #tpu.memory_space<vmem>>, vector<16xf32>,
      %mul3A_391 = arith.constant 4 : i32
      %mul3A_392 = arith.muli %scan3A_377, %mul3A_391 : i32
      %add3A_393 = arith.constant 0 : i32
      %add3A_394 = arith.addi %mul3A_392, %add3A_393 : i32
      %swap3A_395 = arith.index_cast %add3A_394 : i32 to index
      %swap3A_396 = arith.constant 32 : index
      %swap3A_397 = tpu.vector_load %arg5[%swap3A_395, %swap3A_396] {strides = array<i32>} : memref<496x128xf32, #tpu.memory_space<vmem>>, vector<16xf32>,
      tpu.vector_store %arg5[%swap3A_395, %swap3A_396], %broadcast_in_dim3A_6 {strides = array<i32>} : memref<496x128xf32, #tpu.memory_space<vmem>>, vector<16xf32>,
      %mul3A_398 = arith.constant 4 : i32
      %mul3A_399 = arith.muli %scan3A_377, %mul3A_398 : i32
      %add3A_400 = arith.constant 0 : i32
      %add3A_401 = arith.addi %mul3A_399, %add3A_400 : i32
      %swap3A_402 = arith.index_cast %add3A_401 : i32 to index
      %swap3A_403 = arith.constant 48 : index
      %swap3A_404 = tpu.vector_load %arg5[%swap3A_402, %swap3A_403] {strides = array<i32>} : memref<496x128xf32, #tpu.memory_space<vmem>>, vector<16xf32>,
      tpu.vector_store %arg5[%swap3A_402, %swap3A_403], %broadcast_in_dim3A_6 {strides = array<i32>} : memref<496x128xf32, #tpu.memory_space<vmem>>, vector<16xf32>,
      %mul3A_405 = arith.constant 4 : i32
      %mul3A_406 = arith.muli %scan3A_377, %mul3A_405 : i32
      %add3A_407 = arith.constant 0 : i32
      %add3A_408 = arith.addi %mul3A_406, %add3A_407 : i32
      %swap3A_409 = arith.index_cast %add3A_408 : i32 to index
      %swap3A_410 = arith.constant 64 : index
      %swap3A_411 = tpu.vector_load %arg5[%swap3A_409, %swap3A_410] {strides = array<i32>} : memref<496x128xf32, #tpu.memory_space<vmem>>, vector<16xf32>,
      tpu.vector_store %arg5[%swap3A_409, %swap3A_410], %broadcast_in_dim3A_6 {strides = array<i32>} : memref<496x128xf32, #tpu.memory_space<vmem>>, vector<16xf32>,
      %mul3A_412 = arith.constant 4 : i32
      %mul3A_413 = arith.muli %scan3A_377, %mul3A_412 : i32
      %add3A_414 = arith.constant 0 : i32
      %add3A_415 = arith.addi %mul3A_413, %add3A_414 : i32
      %swap3A_416 = arith.index_cast %add3A_415 : i32 to index
      %swap3A_417 = arith.constant 80 : index
      %swap3A_418 = tpu.vector_load %arg5[%swap3A_416, %swap3A_417] {strides = array<i32>} : memref<496x128xf32, #tpu.memory_space<vmem>>, vector<16xf32>,
      tpu.vector_store %arg5[%swap3A_416, %swap3A_417], %broadcast_in_dim3A_6 {strides = array<i32>} : memref<496x128xf32, #tpu.memory_space<vmem>>, vector<16xf32>,
      %mul3A_419 = arith.constant 4 : i32
      %mul3A_420 = arith.muli %scan3A_377, %mul3A_419 : i32
      %add3A_421 = arith.constant 0 : i32
      %add3A_422 = arith.addi %mul3A_420, %add3A_421 : i32
      %swap3A_423 = arith.index_cast %add3A_422 : i32 to index
      %swap3A_424 = arith.constant 96 : index
      %swap3A_425 = tpu.vector_load %arg5[%swap3A_423, %swap3A_424] {strides = array<i32>} : memref<496x128xf32, #tpu.memory_space<vmem>>, vector<16xf32>,
      tpu.vector_store %arg5[%swap3A_423, %swap3A_424], %broadcast_in_dim3A_6 {strides = array<i32>} : memref<496x128xf32, #tpu.memory_space<vmem>>, vector<16xf32>,
      %mul3A_426 = arith.constant 4 : i32
      %mul3A_427 = arith.muli %scan3A_377, %mul3A_426 : i32
      %add3A_428 = arith.constant 0 : i32
      %add3A_429 = arith.addi %mul3A_427, %add3A_428 : i32
      %swap3A_430 = arith.index_cast %add3A_429 : i32 to index
      %swap3A_431 = arith.constant 112 : index
      %swap3A_432 = tpu.vector_load %arg5[%swap3A_430, %swap3A_431] {strides = array<i32>} : memref<496x128xf32, #tpu.memory_space<vmem>>, vector<16xf32>,
      tpu.vector_store %arg5[%swap3A_430, %swap3A_431], %broadcast_in_dim3A_6 {strides = array<i32>} : memref<496x128xf32, #tpu.memory_space<vmem>>, vector<16xf32>,
      %mul3A_433 = arith.constant 4 : i32
      %mul3A_434 = arith.muli %scan3A_377, %mul3A_433 : i32
      %add3A_435 = arith.constant 1 : i32
      %add3A_436 = arith.addi %mul3A_434, %add3A_435 : i32
      %swap3A_437 = arith.index_cast %add3A_436 : i32 to index
      %swap3A_438 = arith.constant 0 : index
      %swap3A_439 = tpu.vector_load %arg5[%swap3A_437, %swap3A_438] {strides = array<i32>} : memref<496x128xf32, #tpu.memory_space<vmem>>, vector<16xf32>,
      tpu.vector_store %arg5[%swap3A_437, %swap3A_438], %broadcast_in_dim3A_6 {strides = array<i32>} : memref<496x128xf32, #tpu.memory_space<vmem>>, vector<16xf32>,
      %mul3A_440 = arith.constant 4 : i32
      %mul3A_441 = arith.muli %scan3A_377, %mul3A_440 : i32
      %add3A_442 = arith.constant 1 : i32
      %add3A_443 = arith.addi %mul3A_441, %add3A_442 : i32
      %swap3A_444 = arith.index_cast %add3A_443 : i32 to index
      %swap3A_445 = arith.constant 16 : index
      %swap3A_446 = tpu.vector_load %arg5[%swap3A_444, %swap3A_445] {strides = array<i32>} : memref<496x128xf32, #tpu.memory_space<vmem>>, vector<16xf32>,
      tpu.vector_store %arg5[%swap3A_444, %swap3A_445], %broadcast_in_dim3A_6 {strides = array<i32>} : memref<496x128xf32, #tpu.memory_space<vmem>>, vector<16xf32>,
      %mul3A_447 = arith.constant 4 : i32
      %mul3A_448 = arith.muli %scan3A_377, %mul3A_447 : i32
      %add3A_449 = arith.constant 1 : i32
      %add3A_450 = arith.addi %mul3A_448, %add3A_449 : i32
      %swap3A_451 = arith.index_cast %add3A_450 : i32 to index
      %swap3A_452 = arith.constant 32 : index
      %swap3A_453 = tpu.vector_load %arg5[%swap3A_451, %swap3A_452] {strides = array<i32>} : memref<496x128xf32, #tpu.memory_space<vmem>>, vector<16xf32>,
      tpu.vector_store %arg5[%swap3A_451, %swap3A_452], %broadcast_in_dim3A_6 {strides = array<i32>} : memref<496x128xf32, #tpu.memory_space<vmem>>, vector<16xf32>,
      %mul3A_454 = arith.constant 4 : i32
      %mul3A_455 = arith.muli %scan3A_377, %mul3A_454 : i32
      %add3A_456 = arith.constant 1 : i32
      %add3A_457 = arith.addi %mul3A_455, %add3A_456 : i32
      %swap3A_458 = arith.index_cast %add3A_457 : i32 to index
      %swap3A_459 = arith.constant 48 : index
      %swap3A_460 = tpu.vector_load %arg5[%swap3A_458, %swap3A_459] {strides = array<i32>} : memref<496x128xf32, #tpu.memory_space<vmem>>, vector<16xf32>,
      tpu.vector_store %arg5[%swap3A_458, %swap3A_459], %broadcast_in_dim3A_6 {strides = array<i32>} : memref<496x128xf32, #tpu.memory_space<vmem>>, vector<16xf32>,
      %mul3A_461 = arith.constant 4 : i32
      %mul3A_462 = arith.muli %scan3A_377, %mul3A_461 : i32
      %add3A_463 = arith.constant 1 : i32
      %add3A_464 = arith.addi %mul3A_462, %add3A_463 : i32
      %swap3A_465 = arith.index_cast %add3A_464 : i32 to index
      %swap3A_466 = arith.constant 64 : index
      %swap3A_467 = tpu.vector_load %arg5[%swap3A_465, %swap3A_466] {strides = array<i32>} : memref<496x128xf32, #tpu.memory_space<vmem>>, vector<16xf32>,
      tpu.vector_store %arg5[%swap3A_465, %swap3A_466], %broadcast_in_dim3A_6 {strides = array<i32>} : memref<496x128xf32, #tpu.memory_space<vmem>>, vector<16xf32>,
      %mul3A_468 = arith.constant 4 : i32
      %mul3A_469 = arith.muli %scan3A_377, %mul3A_468 : i32
      %add3A_470 = arith.constant 1 : i32
      %add3A_471 = arith.addi %mul3A_469, %add3A_470 : i32
      %swap3A_472 = arith.index_cast %add3A_471 : i32 to index
      %swap3A_473 = arith.constant 80 : index
      %swap3A_474 = tpu.vector_load %arg5[%swap3A_472, %swap3A_473] {strides = array<i32>} : memref<496x128xf32, #tpu.memory_space<vmem>>, vector<16xf32>,
      tpu.vector_store %arg5[%swap3A_472, %swap3A_473], %broadcast_in_dim3A_6 {strides = array<i32>} : memref<496x128xf32, #tpu.memory_space<vmem>>, vector<16xf32>,
      %mul3A_475 = arith.constant 4 : i32
      %mul3A_476 = arith.muli %scan3A_377, %mul3A_475 : i32
      %add3A_477 = arith.constant 1 : i32
      %add3A_478 = arith.addi %mul3A_476, %add3A_477 : i32
      %swap3A_479 = arith.index_cast %add3A_478 : i32 to index
      %swap3A_480 = arith.constant 96 : index
      %swap3A_481 = tpu.vector_load %arg5[%swap3A_479, %swap3A_480] {strides = array<i32>} : memref<496x128xf32, #tpu.memory_space<vmem>>, vector<16xf32>,
      tpu.vector_store %arg5[%swap3A_479, %swap3A_480], %broadcast_in_dim3A_6 {strides = array<i32>} : memref<496x128xf32, #tpu.memory_space<vmem>>, vector<16xf32>,
      %mul3A_482 = arith.constant 4 : i32
      %mul3A_483 = arith.muli %scan3A_377, %mul3A_482 : i32
      %add3A_484 = arith.constant 1 : i32
      %add3A_485 = arith.addi %mul3A_483, %add3A_484 : i32
      %swap3A_486 = arith.index_cast %add3A_485 : i32 to index
      %swap3A_487 = arith.constant 112 : index
      %swap3A_488 = tpu.vector_load %arg5[%swap3A_486, %swap3A_487] {strides = array<i32>} : memref<496x128xf32, #tpu.memory_space<vmem>>, vector<16xf32>,
      tpu.vector_store %arg5[%swap3A_486, %swap3A_487], %broadcast_in_dim3A_6 {strides = array<i32>} : memref<496x128xf32, #tpu.memory_space<vmem>>, vector<16xf32>,
      %mul3A_489 = arith.constant 4 : i32
      %mul3A_490 = arith.muli %scan3A_377, %mul3A_489 : i32
      %add3A_491 = arith.constant 2 : i32
      %add3A_492 = arith.addi %mul3A_490, %add3A_491 : i32
      %swap3A_493 = arith.index_cast %add3A_492 : i32 to index
      %swap3A_494 = arith.constant 0 : index
      %swap3A_495 = tpu.vector_load %arg5[%swap3A_493, %swap3A_494] {strides = array<i32>} : memref<496x128xf32, #tpu.memory_space<vmem>>, vector<16xf32>,
      tpu.vector_store %arg5[%swap3A_493, %swap3A_494], %broadcast_in_dim3A_6 {strides = array<i32>} : memref<496x128xf32, #tpu.memory_space<vmem>>, vector<16xf32>,
      %mul3A_496 = arith.constant 4 : i32
      %mul3A_497 = arith.muli %scan3A_377, %mul3A_496 : i32
      %add3A_498 = arith.constant 2 : i32
      %add3A_499 = arith.addi %mul3A_497, %add3A_498 : i32
      %swap3A_500 = arith.index_cast %add3A_499 : i32 to index
      %swap3A_501 = arith.constant 16 : index
      %swap3A_502 = tpu.vector_load %arg5[%swap3A_500, %swap3A_501] {strides = array<i32>} : memref<496x128xf32, #tpu.memory_space<vmem>>, vector<16xf32>,
      tpu.vector_store %arg5[%swap3A_500, %swap3A_501], %broadcast_in_dim3A_6 {strides = array<i32>} : memref<496x128xf32, #tpu.memory_space<vmem>>, vector<16xf32>,
      %mul3A_503 = arith.constant 4 : i32
      %mul3A_504 = arith.muli %scan3A_377, %mul3A_503 : i32
      %add3A_505 = arith.constant 2 : i32
      %add3A_506 = arith.addi %mul3A_504, %add3A_505 : i32
      %swap3A_507 = arith.index_cast %add3A_506 : i32 to index
      %swap3A_508 = arith.constant 32 : index
      %swap3A_509 = tpu.vector_load %arg5[%swap3A_507, %swap3A_508] {strides = array<i32>} : memref<496x128xf32, #tpu.memory_space<vmem>>, vector<16xf32>,
      tpu.vector_store %arg5[%swap3A_507, %swap3A_508], %broadcast_in_dim3A_6 {strides = array<i32>} : memref<496x128xf32, #tpu.memory_space<vmem>>, vector<16xf32>,
      %mul3A_510 = arith.constant 4 : i32
      %mul3A_511 = arith.muli %scan3A_377, %mul3A_510 : i32
      %add3A_512 = arith.constant 2 : i32
      %add3A_513 = arith.addi %mul3A_511, %add3A_512 : i32
      %swap3A_514 = arith.index_cast %add3A_513 : i32 to index
      %swap3A_515 = arith.constant 48 : index
      %swap3A_516 = tpu.vector_load %arg5[%swap3A_514, %swap3A_515] {strides = array<i32>} : memref<496x128xf32, #tpu.memory_space<vmem>>, vector<16xf32>,
      tpu.vector_store %arg5[%swap3A_514, %swap3A_515], %broadcast_in_dim3A_6 {strides = array<i32>} : memref<496x128xf32, #tpu.memory_space<vmem>>, vector<16xf32>,
      %mul3A_517 = arith.constant 4 : i32
      %mul3A_518 = arith.muli %scan3A_377, %mul3A_517 : i32
      %add3A_519 = arith.constant 2 : i32
      %add3A_520 = arith.addi %mul3A_518, %add3A_519 : i32
      %swap3A_521 = arith.index_cast %add3A_520 : i32 to index
      %swap3A_522 = arith.constant 64 : index
      %swap3A_523 = tpu.vector_load %arg5[%swap3A_521, %swap3A_522] {strides = array<i32>} : memref<496x128xf32, #tpu.memory_space<vmem>>, vector<16xf32>,
      tpu.vector_store %arg5[%swap3A_521, %swap3A_522], %broadcast_in_dim3A_6 {strides = array<i32>} : memref<496x128xf32, #tpu.memory_space<vmem>>, vector<16xf32>,
      %mul3A_524 = arith.constant 4 : i32
      %mul3A_525 = arith.muli %scan3A_377, %mul3A_524 : i32
      %add3A_526 = arith.constant 2 : i32
      %add3A_527 = arith.addi %mul3A_525, %add3A_526 : i32
      %swap3A_528 = arith.index_cast %add3A_527 : i32 to index
      %swap3A_529 = arith.constant 80 : index
      %swap3A_530 = tpu.vector_load %arg5[%swap3A_528, %swap3A_529] {strides = array<i32>} : memref<496x128xf32, #tpu.memory_space<vmem>>, vector<16xf32>,
      tpu.vector_store %arg5[%swap3A_528, %swap3A_529], %broadcast_in_dim3A_6 {strides = array<i32>} : memref<496x128xf32, #tpu.memory_space<vmem>>, vector<16xf32>,
      %mul3A_531 = arith.constant 4 : i32
      %mul3A_532 = arith.muli %scan3A_377, %mul3A_531 : i32
      %add3A_533 = arith.constant 2 : i32
      %add3A_534 = arith.addi %mul3A_532, %add3A_533 : i32
      %swap3A_535 = arith.index_cast %add3A_534 : i32 to index
      %swap3A_536 = arith.constant 96 : index
      %swap3A_537 = tpu.vector_load %arg5[%swap3A_535, %swap3A_536] {strides = array<i32>} : memref<496x128xf32, #tpu.memory_space<vmem>>, vector<16xf32>,
      tpu.vector_store %arg5[%swap3A_535, %swap3A_536], %broadcast_in_dim3A_6 {strides = array<i32>} : memref<496x128xf32, #tpu.memory_space<vmem>>, vector<16xf32>,
      %mul3A_538 = arith.constant 4 : i32
      %mul3A_539 = arith.muli %scan3A_377, %mul3A_538 : i32
      %add3A_540 = arith.constant 2 : i32
      %add3A_541 = arith.addi %mul3A_539, %add3A_540 : i32
      %swap3A_542 = arith.index_cast %add3A_541 : i32 to index
      %swap3A_543 = arith.constant 112 : index
      %swap3A_544 = tpu.vector_load %arg5[%swap3A_542, %swap3A_543] {strides = array<i32>} : memref<496x128xf32, #tpu.memory_space<vmem>>, vector<16xf32>,
      tpu.vector_store %arg5[%swap3A_542, %swap3A_543], %broadcast_in_dim3A_6 {strides = array<i32>} : memref<496x128xf32, #tpu.memory_space<vmem>>, vector<16xf32>,
      %mul3A_545 = arith.constant 4 : i32
      %mul3A_546 = arith.muli %scan3A_377, %mul3A_545 : i32
      %add3A_547 = arith.constant 3 : i32
      %add3A_548 = arith.addi %mul3A_546, %add3A_547 : i32
      %swap3A_549 = arith.index_cast %add3A_548 : i32 to index
      %swap3A_550 = arith.constant 0 : index
      %swap3A_551 = tpu.vector_load %arg5[%swap3A_549, %swap3A_550] {strides = array<i32>} : memref<496x128xf32, #tpu.memory_space<vmem>>, vector<16xf32>,
      tpu.vector_store %arg5[%swap3A_549, %swap3A_550], %broadcast_in_dim3A_6 {strides = array<i32>} : memref<496x128xf32, #tpu.memory_space<vmem>>, vector<16xf32>,
      %mul3A_552 = arith.constant 4 : i32
      %mul3A_553 = arith.muli %scan3A_377, %mul3A_552 : i32
      %add3A_554 = arith.constant 3 : i32
      %add3A_555 = arith.addi %mul3A_553, %add3A_554 : i32
      %swap3A_556 = arith.index_cast %add3A_555 : i32 to index
      %swap3A_557 = arith.constant 16 : index
      %swap3A_558 = tpu.vector_load %arg5[%swap3A_556, %swap3A_557] {strides = array<i32>} : memref<496x128xf32, #tpu.memory_space<vmem>>, vector<16xf32>,
      tpu.vector_store %arg5[%swap3A_556, %swap3A_557], %broadcast_in_dim3A_6 {strides = array<i32>} : memref<496x128xf32, #tpu.memory_space<vmem>>, vector<16xf32>,
      %mul3A_559 = arith.constant 4 : i32
      %mul3A_560 = arith.muli %scan3A_377, %mul3A_559 : i32
      %add3A_561 = arith.constant 3 : i32
      %add3A_562 = arith.addi %mul3A_560, %add3A_561 : i32
      %swap3A_563 = arith.index_cast %add3A_562 : i32 to index
      %swap3A_564 = arith.constant 32 : index
      %swap3A_565 = tpu.vector_load %arg5[%swap3A_563, %swap3A_564] {strides = array<i32>} : memref<496x128xf32, #tpu.memory_space<vmem>>, vector<16xf32>,
      tpu.vector_store %arg5[%swap3A_563, %swap3A_564], %broadcast_in_dim3A_6 {strides = array<i32>} : memref<496x128xf32, #tpu.memory_space<vmem>>, vector<16xf32>,
      %mul3A_566 = arith.constant 4 : i32
      %mul3A_567 = arith.muli %scan3A_377, %mul3A_566 : i32
      %add3A_568 = arith.constant 3 : i32
      %add3A_569 = arith.addi %mul3A_567, %add3A_568 : i32
      %swap3A_570 = arith.index_cast %add3A_569 : i32 to index
      %swap3A_571 = arith.constant 48 : index
      %swap3A_572 = tpu.vector_load %arg5[%swap3A_570, %swap3A_571] {strides = array<i32>} : memref<496x128xf32, #tpu.memory_space<vmem>>, vector<16xf32>,
      tpu.vector_store %arg5[%swap3A_570, %swap3A_571], %broadcast_in_dim3A_6 {strides = array<i32>} : memref<496x128xf32, #tpu.memory_space<vmem>>, vector<16xf32>,
      %mul3A_573 = arith.constant 4 : i32
      %mul3A_574 = arith.muli %scan3A_377, %mul3A_573 : i32
      %add3A_575 = arith.constant 3 : i32
      %add3A_576 = arith.addi %mul3A_574, %add3A_575 : i32
      %swap3A_577 = arith.index_cast %add3A_576 : i32 to index
      %swap3A_578 = arith.constant 64 : index
      %swap3A_579 = tpu.vector_load %arg5[%swap3A_577, %swap3A_578] {strides = array<i32>} : memref<496x128xf32, #tpu.memory_space<vmem>>, vector<16xf32>,
      tpu.vector_store %arg5[%swap3A_577, %swap3A_578], %broadcast_in_dim3A_6 {strides = array<i32>} : memref<496x128xf32, #tpu.memory_space<vmem>>, vector<16xf32>,
      %mul3A_580 = arith.constant 4 : i32
      %mul3A_581 = arith.muli %scan3A_377, %mul3A_580 : i32
      %add3A_582 = arith.constant 3 : i32
      %add3A_583 = arith.addi %mul3A_581, %add3A_582 : i32
      %swap3A_584 = arith.index_cast %add3A_583 : i32 to index
      %swap3A_585 = arith.constant 80 : index
      %swap3A_586 = tpu.vector_load %arg5[%swap3A_584, %swap3A_585] {strides = array<i32>} : memref<496x128xf32, #tpu.memory_space<vmem>>, vector<16xf32>,
      tpu.vector_store %arg5[%swap3A_584, %swap3A_585], %broadcast_in_dim3A_6 {strides = array<i32>} : memref<496x128xf32, #tpu.memory_space<vmem>>, vector<16xf32>,
      %mul3A_587 = arith.constant 4 : i32
      %mul3A_588 = arith.muli %scan3A_377, %mul3A_587 : i32
      %add3A_589 = arith.constant 3 : i32
      %add3A_590 = arith.addi %mul3A_588, %add3A_589 : i32
      %swap3A_591 = arith.index_cast %add3A_590 : i32 to index
      %swap3A_592 = arith.constant 96 : index
      %swap3A_593 = tpu.vector_load %arg5[%swap3A_591, %swap3A_592] {strides = array<i32>} : memref<496x128xf32, #tpu.memory_space<vmem>>, vector<16xf32>,
      tpu.vector_store %arg5[%swap3A_591, %swap3A_592], %broadcast_in_dim3A_6 {strides = array<i32>} : memref<496x128xf32, #tpu.memory_space<vmem>>, vector<16xf32>,
      %mul3A_594 = arith.constant 4 : i32
      %mul3A_595 = arith.muli %scan3A_377, %mul3A_594 : i32
      %add3A_596 = arith.constant 3 : i32
      %add3A_597 = arith.addi %mul3A_595, %add3A_596 : i32
      %swap3A_598 = arith.index_cast %add3A_597 : i32 to index
      %swap3A_599 = arith.constant 112 : index
      %swap3A_600 = tpu.vector_load %arg5[%swap3A_598, %swap3A_599] {strides = array<i32>} : memref<496x128xf32, #tpu.memory_space<vmem>>, vector<16xf32>,
      tpu.vector_store %arg5[%swap3A_598, %swap3A_599], %broadcast_in_dim3A_6 {strides = array<i32>} : memref<496x128xf32, #tpu.memory_space<vmem>>, vector<16xf32>,
    }
    %scan3A_11 = arith.constant 124 : i32
    %dma_wait3A = tpu.memref_slice %arg2[%mul3A_2] : memref<81920xi32, #tpu.memory_space<hbm>> -> memref<2560xi32, #tpu.memory_space<hbm>>
    %dma_wait3A_12 = tpu.memref_slice %arg2[%mul3A_2] : memref<81920xi32, #tpu.memory_space<hbm>> -> memref<2560xi32, #tpu.memory_space<hbm>>
    tpu.wait_dma2 semaphore(%arg9 : memref<!tpu.dma_semaphore, #tpu.memory_space<semaphore_mem>>) src(%dma_wait3A_12 : memref<2560xi32, #tpu.memory_space<hbm>>) dst(%arg4 : memref<2560xi32, #tpu.memory_space<vmem>>)
    %get3A = arith.constant 0 : index
    %get3A_13 = tpu.vector_load %arg4[%get3A] {strides = array<i32>} : memref<2560xi32, #tpu.memory_space<vmem>>, vector<16xi32>,
    %ge3A = arith.constant 0 : i32
    %ge3A_14 = vector.broadcast %ge3A : i32 to vector<16xi32>
    %ge3A_15 = arith.cmpi sge, %get3A_13, %ge3A_14 : vector<16xi32>
    %lt3A = arith.constant 496 : i32
    %lt3A_16 = vector.broadcast %lt3A : i32 to vector<16xi32>
    %lt3A_17 = arith.cmpi slt, %get3A_13, %lt3A_16 : vector<16xi32>
    %and3A = arith.andi %ge3A_15, %lt3A_17 : vector<16xi1>
    %sub3A = arith.constant 0 : i32
    %sub3A_18 = vector.broadcast %sub3A : i32 to vector<16xi32>
    %sub3A_19 = arith.subi %get3A_13, %sub3A_18 : vector<16xi32>
    %jit3A = arith.constant 0 : i32
    %jit3A_20 = arith.constant 495 : i32
    %max3A = vector.broadcast %jit3A : i32 to vector<16xi32>
    %max3A_21 = arith.maxsi %max3A, %sub3A_19 : vector<16xi32>
    %min3A = vector.broadcast %jit3A_20 : i32 to vector<16xi32>
    %min3A_22 = arith.minsi %min3A, %max3A_21 : vector<16xi32>
    %add3A_23 = arith.constant 0 : i32
    %add3A_24 = vector.broadcast %add3A_23 : i32 to vector<16xi32>
    %add3A_25 = arith.addi %add3A_24, %iota3A : vector<16xi32>
    tpu.vector_store_idx %arg5[%min3A_22, %add3A_25], %broadcast_in_dim3A_4 masked %and3A : memref<496x128xf32, #tpu.memory_space<vmem>>[vector<16xi32>, vector<16xi32>], vector<16xf32>, vector<16xi1>
    %get3A_26 = arith.constant 16 : index
    %get3A_27 = tpu.vector_load %arg4[%get3A_26] {strides = array<i32>} : memref<2560xi32, #tpu.memory_space<vmem>>, vector<16xi32>,
    %ge3A_28 = arith.constant 0 : i32
    %ge3A_29 = vector.broadcast %ge3A_28 : i32 to vector<16xi32>
    %ge3A_30 = arith.cmpi sge, %get3A_27, %ge3A_29 : vector<16xi32>
    %lt3A_31 = arith.constant 496 : i32
    %lt3A_32 = vector.broadcast %lt3A_31 : i32 to vector<16xi32>
    %lt3A_33 = arith.cmpi slt, %get3A_27, %lt3A_32 : vector<16xi32>
    %and3A_34 = arith.andi %ge3A_30, %lt3A_33 : vector<16xi1>
    %sub3A_35 = arith.constant 0 : i32
    %sub3A_36 = vector.broadcast %sub3A_35 : i32 to vector<16xi32>
    %sub3A_37 = arith.subi %get3A_27, %sub3A_36 : vector<16xi32>
    %jit3A_38 = arith.constant 0 : i32
    %jit3A_39 = arith.constant 495 : i32
    %max3A_40 = vector.broadcast %jit3A_38 : i32 to vector<16xi32>
    %max3A_41 = arith.maxsi %max3A_40, %sub3A_37 : vector<16xi32>
    %min3A_42 = vector.broadcast %jit3A_39 : i32 to vector<16xi32>
    %min3A_43 = arith.minsi %min3A_42, %max3A_41 : vector<16xi32>
    %add3A_44 = arith.constant 16 : i32
    %add3A_45 = vector.broadcast %add3A_44 : i32 to vector<16xi32>
    %add3A_46 = arith.addi %add3A_45, %iota3A : vector<16xi32>
    tpu.vector_store_idx %arg5[%min3A_43, %add3A_46], %broadcast_in_dim3A_4 masked %and3A_34 : memref<496x128xf32, #tpu.memory_space<vmem>>[vector<16xi32>, vector<16xi32>], vector<16xf32>, vector<16xi1>
    %get3A_47 = arith.constant 32 : index
    %get3A_48 = tpu.vector_load %arg4[%get3A_47] {strides = array<i32>} : memref<2560xi32, #tpu.memory_space<vmem>>, vector<16xi32>,
    %ge3A_49 = arith.constant 0 : i32
    %ge3A_50 = vector.broadcast %ge3A_49 : i32 to vector<16xi32>
    %ge3A_51 = arith.cmpi sge, %get3A_48, %ge3A_50 : vector<16xi32>
    %lt3A_52 = arith.constant 496 : i32
    %lt3A_53 = vector.broadcast %lt3A_52 : i32 to vector<16xi32>
    %lt3A_54 = arith.cmpi slt, %get3A_48, %lt3A_53 : vector<16xi32>
    %and3A_55 = arith.andi %ge3A_51, %lt3A_54 : vector<16xi1>
    %sub3A_56 = arith.constant 0 : i32
    %sub3A_57 = vector.broadcast %sub3A_56 : i32 to vector<16xi32>
    %sub3A_58 = arith.subi %get3A_48, %sub3A_57 : vector<16xi32>
    %jit3A_59 = arith.constant 0 : i32
    %jit3A_60 = arith.constant 495 : i32
    %max3A_61 = vector.broadcast %jit3A_59 : i32 to vector<16xi32>
    %max3A_62 = arith.maxsi %max3A_61, %sub3A_58 : vector<16xi32>
    %min3A_63 = vector.broadcast %jit3A_60 : i32 to vector<16xi32>
    %min3A_64 = arith.minsi %min3A_63, %max3A_62 : vector<16xi32>
    %add3A_65 = arith.constant 32 : i32
    %add3A_66 = vector.broadcast %add3A_65 : i32 to vector<16xi32>
    %add3A_67 = arith.addi %add3A_66, %iota3A : vector<16xi32>
    tpu.vector_store_idx %arg5[%min3A_64, %add3A_67], %broadcast_in_dim3A_4 masked %and3A_55 : memref<496x128xf32, #tpu.memory_space<vmem>>[vector<16xi32>, vector<16xi32>], vector<16xf32>, vector<16xi1>
    %get3A_68 = arith.constant 48 : index
    %get3A_69 = tpu.vector_load %arg4[%get3A_68] {strides = array<i32>} : memref<2560xi32, #tpu.memory_space<vmem>>, vector<16xi32>,
    %ge3A_70 = arith.constant 0 : i32
    %ge3A_71 = vector.broadcast %ge3A_70 : i32 to vector<16xi32>
    %ge3A_72 = arith.cmpi sge, %get3A_69, %ge3A_71 : vector<16xi32>
    %lt3A_73 = arith.constant 496 : i32
    %lt3A_74 = vector.broadcast %lt3A_73 : i32 to vector<16xi32>
    %lt3A_75 = arith.cmpi slt, %get3A_69, %lt3A_74 : vector<16xi32>
    %and3A_76 = arith.andi %ge3A_72, %lt3A_75 : vector<16xi1>
    %sub3A_77 = arith.constant 0 : i32
    %sub3A_78 = vector.broadcast %sub3A_77 : i32 to vector<16xi32>
    %sub3A_79 = arith.subi %get3A_69, %sub3A_78 : vector<16xi32>
    %jit3A_80 = arith.constant 0 : i32
    %jit3A_81 = arith.constant 495 : i32
    %max3A_82 = vector.broadcast %jit3A_80 : i32 to vector<16xi32>
    %max3A_83 = arith.maxsi %max3A_82, %sub3A_79 : vector<16xi32>
    %min3A_84 = vector.broadcast %jit3A_81 : i32 to vector<16xi32>
    %min3A_85 = arith.minsi %min3A_84, %max3A_83 : vector<16xi32>
    %add3A_86 = arith.constant 48 : i32
    %add3A_87 = vector.broadcast %add3A_86 : i32 to vector<16xi32>
    %add3A_88 = arith.addi %add3A_87, %iota3A : vector<16xi32>
    tpu.vector_store_idx %arg5[%min3A_85, %add3A_88], %broadcast_in_dim3A_4 masked %and3A_76 : memref<496x128xf32, #tpu.memory_space<vmem>>[vector<16xi32>, vector<16xi32>], vector<16xf32>, vector<16xi1>
    %get3A_89 = arith.constant 64 : index
    %get3A_90 = tpu.vector_load %arg4[%get3A_89] {strides = array<i32>} : memref<2560xi32, #tpu.memory_space<vmem>>, vector<16xi32>,
    %ge3A_91 = arith.constant 0 : i32
    %ge3A_92 = vector.broadcast %ge3A_91 : i32 to vector<16xi32>
    %ge3A_93 = arith.cmpi sge, %get3A_90, %ge3A_92 : vector<16xi32>
    %lt3A_94 = arith.constant 496 : i32
    %lt3A_95 = vector.broadcast %lt3A_94 : i32 to vector<16xi32>
    %lt3A_96 = arith.cmpi slt, %get3A_90, %lt3A_95 : vector<16xi32>
    %and3A_97 = arith.andi %ge3A_93, %lt3A_96 : vector<16xi1>
    %sub3A_98 = arith.constant 0 : i32
    %sub3A_99 = vector.broadcast %sub3A_98 : i32 to vector<16xi32>
    %sub3A_100 = arith.subi %get3A_90, %sub3A_99 : vector<16xi32>
    %jit3A_101 = arith.constant 0 : i32
    %jit3A_102 = arith.constant 495 : i32
    %max3A_103 = vector.broadcast %jit3A_101 : i32 to vector<16xi32>
    %max3A_104 = arith.maxsi %max3A_103, %sub3A_100 : vector<16xi32>
    %min3A_105 = vector.broadcast %jit3A_102 : i32 to vector<16xi32>
    %min3A_106 = arith.minsi %min3A_105, %max3A_104 : vector<16xi32>
    %add3A_107 = arith.constant 64 : i32
    %add3A_108 = vector.broadcast %add3A_107 : i32 to vector<16xi32>
    %add3A_109 = arith.addi %add3A_108, %iota3A : vector<16xi32>
    tpu.vector_store_idx %arg5[%min3A_106, %add3A_109], %broadcast_in_dim3A_4 masked %and3A_97 : memref<496x128xf32, #tpu.memory_space<vmem>>[vector<16xi32>, vector<16xi32>], vector<16xf32>, vector<16xi1>
    %get3A_110 = arith.constant 80 : index
    %get3A_111 = tpu.vector_load %arg4[%get3A_110] {strides = array<i32>} : memref<2560xi32, #tpu.memory_space<vmem>>, vector<16xi32>,
    %ge3A_112 = arith.constant 0 : i32
    %ge3A_113 = vector.broadcast %ge3A_112 : i32 to vector<16xi32>
    %ge3A_114 = arith.cmpi sge, %get3A_111, %ge3A_113 : vector<16xi32>
    %lt3A_115 = arith.constant 496 : i32
    %lt3A_116 = vector.broadcast %lt3A_115 : i32 to vector<16xi32>
    %lt3A_117 = arith.cmpi slt, %get3A_111, %lt3A_116 : vector<16xi32>
    %and3A_118 = arith.andi %ge3A_114, %lt3A_117 : vector<16xi1>
    %sub3A_119 = arith.constant 0 : i32
    %sub3A_120 = vector.broadcast %sub3A_119 : i32 to vector<16xi32>
    %sub3A_121 = arith.subi %get3A_111, %sub3A_120 : vector<16xi32>
    %jit3A_122 = arith.constant 0 : i32
    %jit3A_123 = arith.constant 495 : i32
    %max3A_124 = vector.broadcast %jit3A_122 : i32 to vector<16xi32>
    %max3A_125 = arith.maxsi %max3A_124, %sub3A_121 : vector<16xi32>
    %min3A_126 = vector.broadcast %jit3A_123 : i32 to vector<16xi32>
    %min3A_127 = arith.minsi %min3A_126, %max3A_125 : vector<16xi32>
    %add3A_128 = arith.constant 80 : i32
    %add3A_129 = vector.broadcast %add3A_128 : i32 to vector<16xi32>
    %add3A_130 = arith.addi %add3A_129, %iota3A : vector<16xi32>
    tpu.vector_store_idx %arg5[%min3A_127, %add3A_130], %broadcast_in_dim3A_4 masked %and3A_118 : memref<496x128xf32, #tpu.memory_space<vmem>>[vector<16xi32>, vector<16xi32>], vector<16xf32>, vector<16xi1>
    %get3A_131 = arith.constant 96 : index
    %get3A_132 = tpu.vector_load %arg4[%get3A_131] {strides = array<i32>} : memref<2560xi32, #tpu.memory_space<vmem>>, vector<16xi32>,
    %ge3A_133 = arith.constant 0 : i32
    %ge3A_134 = vector.broadcast %ge3A_133 : i32 to vector<16xi32>
    %ge3A_135 = arith.cmpi sge, %get3A_132, %ge3A_134 : vector<16xi32>
    %lt3A_136 = arith.constant 496 : i32
    %lt3A_137 = vector.broadcast %lt3A_136 : i32 to vector<16xi32>
    %lt3A_138 = arith.cmpi slt, %get3A_132, %lt3A_137 : vector<16xi32>
    %and3A_139 = arith.andi %ge3A_135, %lt3A_138 : vector<16xi1>
    %sub3A_140 = arith.constant 0 : i32
    %sub3A_141 = vector.broadcast %sub3A_140 : i32 to vector<16xi32>
    %sub3A_142 = arith.subi %get3A_132, %sub3A_141 : vector<16xi32>
    %jit3A_143 = arith.constant 0 : i32
    %jit3A_144 = arith.constant 495 : i32
    %max3A_145 = vector.broadcast %jit3A_143 : i32 to vector<16xi32>
    %max3A_146 = arith.maxsi %max3A_145, %sub3A_142 : vector<16xi32>
    %min3A_147 = vector.broadcast %jit3A_144 : i32 to vector<16xi32>
    %min3A_148 = arith.minsi %min3A_147, %max3A_146 : vector<16xi32>
    %add3A_149 = arith.constant 96 : i32
    %add3A_150 = vector.broadcast %add3A_149 : i32 to vector<16xi32>
    %add3A_151 = arith.addi %add3A_150, %iota3A : vector<16xi32>
    tpu.vector_store_idx %arg5[%min3A_148, %add3A_151], %broadcast_in_dim3A_4 masked %and3A_139 : memref<496x128xf32, #tpu.memory_space<vmem>>[vector<16xi32>, vector<16xi32>], vector<16xf32>, vector<16xi1>
    %get3A_152 = arith.constant 112 : index
    %get3A_153 = tpu.vector_load %arg4[%get3A_152] {strides = array<i32>} : memref<2560xi32, #tpu.memory_space<vmem>>, vector<16xi32>,
    %ge3A_154 = arith.constant 0 : i32
    %ge3A_155 = vector.broadcast %ge3A_154 : i32 to vector<16xi32>
    %ge3A_156 = arith.cmpi sge, %get3A_153, %ge3A_155 : vector<16xi32>
    %lt3A_157 = arith.constant 496 : i32
    %lt3A_158 = vector.broadcast %lt3A_157 : i32 to vector<16xi32>
    %lt3A_159 = arith.cmpi slt, %get3A_153, %lt3A_158 : vector<16xi32>
    %and3A_160 = arith.andi %ge3A_156, %lt3A_159 : vector<16xi1>
    %sub3A_161 = arith.constant 0 : i32
    %sub3A_162 = vector.broadcast %sub3A_161 : i32 to vector<16xi32>
    %sub3A_163 = arith.subi %get3A_153, %sub3A_162 : vector<16xi32>
    %jit3A_164 = arith.constant 0 : i32
    %jit3A_165 = arith.constant 495 : i32
    %max3A_166 = vector.broadcast %jit3A_164 : i32 to vector<16xi32>
    %max3A_167 = arith.maxsi %max3A_166, %sub3A_163 : vector<16xi32>
    %min3A_168 = vector.broadcast %jit3A_165 : i32 to vector<16xi32>
    %min3A_169 = arith.minsi %min3A_168, %max3A_167 : vector<16xi32>
    %add3A_170 = arith.constant 112 : i32
    %add3A_171 = vector.broadcast %add3A_170 : i32 to vector<16xi32>
    %add3A_172 = arith.addi %add3A_171, %iota3A : vector<16xi32>
    tpu.vector_store_idx %arg5[%min3A_169, %add3A_172], %broadcast_in_dim3A_4 masked %and3A_160 : memref<496x128xf32, #tpu.memory_space<vmem>>[vector<16xi32>, vector<16xi32>], vector<16xf32>, vector<16xi1>
    %add3A_173 = arith.constant 0 : i32
    %add3A_174 = arith.addi %mul3A_2, %add3A_173 : i32
    %dma_start3A_175 = arith.constant 0 : i32
    %dma_start3A_176 = tpu.memref_slice %arg3[%dma_start3A_175, %add3A_174] : memref<1000x81920xf32, #tpu.memory_space<hbm>> -> memref<496x128xf32, #tpu.memory_space<hbm>>
    %dma_start3A_177 = arith.constant 0 : i32
    %dma_start3A_178 = tpu.memref_slice %arg3[%dma_start3A_177, %add3A_174] : memref<1000x81920xf32, #tpu.memory_space<hbm>> -> memref<496x128xf32, #tpu.memory_space<hbm>>
    tpu.enqueue_dma source(%arg5 : memref<496x128xf32, #tpu.memory_space<vmem>>) target(%dma_start3A_178 : memref<496x128xf32, #tpu.memory_space<hbm>>) target_semaphore(%arg7 : memref<!tpu.dma_semaphore, #tpu.memory_space<semaphore_mem>>)
    %scan3A_179 = arith.constant 0 : i32
    %scan3A_180 = arith.constant 0 : i32
    %scan3A_181 = arith.constant 126 : i32
    %scan3A_182 = arith.addi %scan3A_180, %scan3A_181 : i32
    %scan3A_183 = arith.constant 1 : i32
    scf.for %scan3A_377 = %scan3A_180 to %scan3A_182 step %scan3A_183  : i32 {
      %mul3A_378 = arith.constant 4 : i32
      %mul3A_379 = arith.muli %scan3A_377, %mul3A_378 : i32
      %add3A_380 = arith.constant 0 : i32
      %add3A_381 = arith.addi %mul3A_379, %add3A_380 : i32
      %swap3A = arith.index_cast %add3A_381 : i32 to index
      %swap3A_382 = arith.constant 0 : index
      %swap3A_383 = tpu.vector_load %arg6[%swap3A, %swap3A_382] {strides = array<i32>} : memref<504x128xf32, #tpu.memory_space<vmem>>, vector<16xf32>,
      tpu.vector_store %arg6[%swap3A, %swap3A_382], %broadcast_in_dim3A_6 {strides = array<i32>} : memref<504x128xf32, #tpu.memory_space<vmem>>, vector<16xf32>,
      %mul3A_384 = arith.constant 4 : i32
      %mul3A_385 = arith.muli %scan3A_377, %mul3A_384 : i32
      %add3A_386 = arith.constant 0 : i32
      %add3A_387 = arith.addi %mul3A_385, %add3A_386 : i32
      %swap3A_388 = arith.index_cast %add3A_387 : i32 to index
      %swap3A_389 = arith.constant 16 : index
      %swap3A_390 = tpu.vector_load %arg6[%swap3A_388, %swap3A_389] {strides = array<i32>} : memref<504x128xf32, #tpu.memory_space<vmem>>, vector<16xf32>,
      tpu.vector_store %arg6[%swap3A_388, %swap3A_389], %broadcast_in_dim3A_6 {strides = array<i32>} : memref<504x128xf32, #tpu.memory_space<vmem>>, vector<16xf32>,
      %mul3A_391 = arith.constant 4 : i32
      %mul3A_392 = arith.muli %scan3A_377, %mul3A_391 : i32
      %add3A_393 = arith.constant 0 : i32
      %add3A_394 = arith.addi %mul3A_392, %add3A_393 : i32
      %swap3A_395 = arith.index_cast %add3A_394 : i32 to index
      %swap3A_396 = arith.constant 32 : index
      %swap3A_397 = tpu.vector_load %arg6[%swap3A_395, %swap3A_396] {strides = array<i32>} : memref<504x128xf32, #tpu.memory_space<vmem>>, vector<16xf32>,
      tpu.vector_store %arg6[%swap3A_395, %swap3A_396], %broadcast_in_dim3A_6 {strides = array<i32>} : memref<504x128xf32, #tpu.memory_space<vmem>>, vector<16xf32>,
      %mul3A_398 = arith.constant 4 : i32
      %mul3A_399 = arith.muli %scan3A_377, %mul3A_398 : i32
      %add3A_400 = arith.constant 0 : i32
      %add3A_401 = arith.addi %mul3A_399, %add3A_400 : i32
      %swap3A_402 = arith.index_cast %add3A_401 : i32 to index
      %swap3A_403 = arith.constant 48 : index
      %swap3A_404 = tpu.vector_load %arg6[%swap3A_402, %swap3A_403] {strides = array<i32>} : memref<504x128xf32, #tpu.memory_space<vmem>>, vector<16xf32>,
      tpu.vector_store %arg6[%swap3A_402, %swap3A_403], %broadcast_in_dim3A_6 {strides = array<i32>} : memref<504x128xf32, #tpu.memory_space<vmem>>, vector<16xf32>,
      %mul3A_405 = arith.constant 4 : i32
      %mul3A_406 = arith.muli %scan3A_377, %mul3A_405 : i32
      %add3A_407 = arith.constant 0 : i32
      %add3A_408 = arith.addi %mul3A_406, %add3A_407 : i32
      %swap3A_409 = arith.index_cast %add3A_408 : i32 to index
      %swap3A_410 = arith.constant 64 : index
      %swap3A_411 = tpu.vector_load %arg6[%swap3A_409, %swap3A_410] {strides = array<i32>} : memref<504x128xf32, #tpu.memory_space<vmem>>, vector<16xf32>,
      tpu.vector_store %arg6[%swap3A_409, %swap3A_410], %broadcast_in_dim3A_6 {strides = array<i32>} : memref<504x128xf32, #tpu.memory_space<vmem>>, vector<16xf32>,
      %mul3A_412 = arith.constant 4 : i32
      %mul3A_413 = arith.muli %scan3A_377, %mul3A_412 : i32
      %add3A_414 = arith.constant 0 : i32
      %add3A_415 = arith.addi %mul3A_413, %add3A_414 : i32
      %swap3A_416 = arith.index_cast %add3A_415 : i32 to index
      %swap3A_417 = arith.constant 80 : index
      %swap3A_418 = tpu.vector_load %arg6[%swap3A_416, %swap3A_417] {strides = array<i32>} : memref<504x128xf32, #tpu.memory_space<vmem>>, vector<16xf32>,
      tpu.vector_store %arg6[%swap3A_416, %swap3A_417], %broadcast_in_dim3A_6 {strides = array<i32>} : memref<504x128xf32, #tpu.memory_space<vmem>>, vector<16xf32>,
      %mul3A_419 = arith.constant 4 : i32
      %mul3A_420 = arith.muli %scan3A_377, %mul3A_419 : i32
      %add3A_421 = arith.constant 0 : i32
      %add3A_422 = arith.addi %mul3A_420, %add3A_421 : i32
      %swap3A_423 = arith.index_cast %add3A_422 : i32 to index
      %swap3A_424 = arith.constant 96 : index
      %swap3A_425 = tpu.vector_load %arg6[%swap3A_423, %swap3A_424] {strides = array<i32>} : memref<504x128xf32, #tpu.memory_space<vmem>>, vector<16xf32>,
      tpu.vector_store %arg6[%swap3A_423, %swap3A_424], %broadcast_in_dim3A_6 {strides = array<i32>} : memref<504x128xf32, #tpu.memory_space<vmem>>, vector<16xf32>,
      %mul3A_426 = arith.constant 4 : i32
      %mul3A_427 = arith.muli %scan3A_377, %mul3A_426 : i32
      %add3A_428 = arith.constant 0 : i32
      %add3A_429 = arith.addi %mul3A_427, %add3A_428 : i32
      %swap3A_430 = arith.index_cast %add3A_429 : i32 to index
      %swap3A_431 = arith.constant 112 : index
      %swap3A_432 = tpu.vector_load %arg6[%swap3A_430, %swap3A_431] {strides = array<i32>} : memref<504x128xf32, #tpu.memory_space<vmem>>, vector<16xf32>,
      tpu.vector_store %arg6[%swap3A_430, %swap3A_431], %broadcast_in_dim3A_6 {strides = array<i32>} : memref<504x128xf32, #tpu.memory_space<vmem>>, vector<16xf32>,
      %mul3A_433 = arith.constant 4 : i32
      %mul3A_434 = arith.muli %scan3A_377, %mul3A_433 : i32
      %add3A_435 = arith.constant 1 : i32
      %add3A_436 = arith.addi %mul3A_434, %add3A_435 : i32
      %swap3A_437 = arith.index_cast %add3A_436 : i32 to index
      %swap3A_438 = arith.constant 0 : index
      %swap3A_439 = tpu.vector_load %arg6[%swap3A_437, %swap3A_438] {strides = array<i32>} : memref<504x128xf32, #tpu.memory_space<vmem>>, vector<16xf32>,
      tpu.vector_store %arg6[%swap3A_437, %swap3A_438], %broadcast_in_dim3A_6 {strides = array<i32>} : memref<504x128xf32, #tpu.memory_space<vmem>>, vector<16xf32>,
      %mul3A_440 = arith.constant 4 : i32
      %mul3A_441 = arith.muli %scan3A_377, %mul3A_440 : i32
      %add3A_442 = arith.constant 1 : i32
      %add3A_443 = arith.addi %mul3A_441, %add3A_442 : i32
      %swap3A_444 = arith.index_cast %add3A_443 : i32 to index
      %swap3A_445 = arith.constant 16 : index
      %swap3A_446 = tpu.vector_load %arg6[%swap3A_444, %swap3A_445] {strides = array<i32>} : memref<504x128xf32, #tpu.memory_space<vmem>>, vector<16xf32>,
      tpu.vector_store %arg6[%swap3A_444, %swap3A_445], %broadcast_in_dim3A_6 {strides = array<i32>} : memref<504x128xf32, #tpu.memory_space<vmem>>, vector<16xf32>,
      %mul3A_447 = arith.constant 4 : i32
      %mul3A_448 = arith.muli %scan3A_377, %mul3A_447 : i32
      %add3A_449 = arith.constant 1 : i32
      %add3A_450 = arith.addi %mul3A_448, %add3A_449 : i32
      %swap3A_451 = arith.index_cast %add3A_450 : i32 to index
      %swap3A_452 = arith.constant 32 : index
      %swap3A_453 = tpu.vector_load %arg6[%swap3A_451, %swap3A_452] {strides = array<i32>} : memref<504x128xf32, #tpu.memory_space<vmem>>, vector<16xf32>,
      tpu.vector_store %arg6[%swap3A_451, %swap3A_452], %broadcast_in_dim3A_6 {strides = array<i32>} : memref<504x128xf32, #tpu.memory_space<vmem>>, vector<16xf32>,
      %mul3A_454 = arith.constant 4 : i32
      %mul3A_455 = arith.muli %scan3A_377, %mul3A_454 : i32
      %add3A_456 = arith.constant 1 : i32
      %add3A_457 = arith.addi %mul3A_455, %add3A_456 : i32
      %swap3A_458 = arith.index_cast %add3A_457 : i32 to index
      %swap3A_459 = arith.constant 48 : index
      %swap3A_460 = tpu.vector_load %arg6[%swap3A_458, %swap3A_459] {strides = array<i32>} : memref<504x128xf32, #tpu.memory_space<vmem>>, vector<16xf32>,
      tpu.vector_store %arg6[%swap3A_458, %swap3A_459], %broadcast_in_dim3A_6 {strides = array<i32>} : memref<504x128xf32, #tpu.memory_space<vmem>>, vector<16xf32>,
      %mul3A_461 = arith.constant 4 : i32
      %mul3A_462 = arith.muli %scan3A_377, %mul3A_461 : i32
      %add3A_463 = arith.constant 1 : i32
      %add3A_464 = arith.addi %mul3A_462, %add3A_463 : i32
      %swap3A_465 = arith.index_cast %add3A_464 : i32 to index
      %swap3A_466 = arith.constant 64 : index
      %swap3A_467 = tpu.vector_load %arg6[%swap3A_465, %swap3A_466] {strides = array<i32>} : memref<504x128xf32, #tpu.memory_space<vmem>>, vector<16xf32>,
      tpu.vector_store %arg6[%swap3A_465, %swap3A_466], %broadcast_in_dim3A_6 {strides = array<i32>} : memref<504x128xf32, #tpu.memory_space<vmem>>, vector<16xf32>,
      %mul3A_468 = arith.constant 4 : i32
      %mul3A_469 = arith.muli %scan3A_377, %mul3A_468 : i32
      %add3A_470 = arith.constant 1 : i32
      %add3A_471 = arith.addi %mul3A_469, %add3A_470 : i32
      %swap3A_472 = arith.index_cast %add3A_471 : i32 to index
      %swap3A_473 = arith.constant 80 : index
      %swap3A_474 = tpu.vector_load %arg6[%swap3A_472, %swap3A_473] {strides = array<i32>} : memref<504x128xf32, #tpu.memory_space<vmem>>, vector<16xf32>,
      tpu.vector_store %arg6[%swap3A_472, %swap3A_473], %broadcast_in_dim3A_6 {strides = array<i32>} : memref<504x128xf32, #tpu.memory_space<vmem>>, vector<16xf32>,
      %mul3A_475 = arith.constant 4 : i32
      %mul3A_476 = arith.muli %scan3A_377, %mul3A_475 : i32
      %add3A_477 = arith.constant 1 : i32
      %add3A_478 = arith.addi %mul3A_476, %add3A_477 : i32
      %swap3A_479 = arith.index_cast %add3A_478 : i32 to index
      %swap3A_480 = arith.constant 96 : index
      %swap3A_481 = tpu.vector_load %arg6[%swap3A_479, %swap3A_480] {strides = array<i32>} : memref<504x128xf32, #tpu.memory_space<vmem>>, vector<16xf32>,
      tpu.vector_store %arg6[%swap3A_479, %swap3A_480], %broadcast_in_dim3A_6 {strides = array<i32>} : memref<504x128xf32, #tpu.memory_space<vmem>>, vector<16xf32>,
      %mul3A_482 = arith.constant 4 : i32
      %mul3A_483 = arith.muli %scan3A_377, %mul3A_482 : i32
      %add3A_484 = arith.constant 1 : i32
      %add3A_485 = arith.addi %mul3A_483, %add3A_484 : i32
      %swap3A_486 = arith.index_cast %add3A_485 : i32 to index
      %swap3A_487 = arith.constant 112 : index
      %swap3A_488 = tpu.vector_load %arg6[%swap3A_486, %swap3A_487] {strides = array<i32>} : memref<504x128xf32, #tpu.memory_space<vmem>>, vector<16xf32>,
      tpu.vector_store %arg6[%swap3A_486, %swap3A_487], %broadcast_in_dim3A_6 {strides = array<i32>} : memref<504x128xf32, #tpu.memory_space<vmem>>, vector<16xf32>,
      %mul3A_489 = arith.constant 4 : i32
      %mul3A_490 = arith.muli %scan3A_377, %mul3A_489 : i32
      %add3A_491 = arith.constant 2 : i32
      %add3A_492 = arith.addi %mul3A_490, %add3A_491 : i32
      %swap3A_493 = arith.index_cast %add3A_492 : i32 to index
      %swap3A_494 = arith.constant 0 : index
      %swap3A_495 = tpu.vector_load %arg6[%swap3A_493, %swap3A_494] {strides = array<i32>} : memref<504x128xf32, #tpu.memory_space<vmem>>, vector<16xf32>,
      tpu.vector_store %arg6[%swap3A_493, %swap3A_494], %broadcast_in_dim3A_6 {strides = array<i32>} : memref<504x128xf32, #tpu.memory_space<vmem>>, vector<16xf32>,
      %mul3A_496 = arith.constant 4 : i32
      %mul3A_497 = arith.muli %scan3A_377, %mul3A_496 : i32
      %add3A_498 = arith.constant 2 : i32
      %add3A_499 = arith.addi %mul3A_497, %add3A_498 : i32
      %swap3A_500 = arith.index_cast %add3A_499 : i32 to index
      %swap3A_501 = arith.constant 16 : index
      %swap3A_502 = tpu.vector_load %arg6[%swap3A_500, %swap3A_501] {strides = array<i32>} : memref<504x128xf32, #tpu.memory_space<vmem>>, vector<16xf32>,
      tpu.vector_store %arg6[%swap3A_500, %swap3A_501], %broadcast_in_dim3A_6 {strides = array<i32>} : memref<504x128xf32, #tpu.memory_space<vmem>>, vector<16xf32>,
      %mul3A_503 = arith.constant 4 : i32
      %mul3A_504 = arith.muli %scan3A_377, %mul3A_503 : i32
      %add3A_505 = arith.constant 2 : i32
      %add3A_506 = arith.addi %mul3A_504, %add3A_505 : i32
      %swap3A_507 = arith.index_cast %add3A_506 : i32 to index
      %swap3A_508 = arith.constant 32 : index
      %swap3A_509 = tpu.vector_load %arg6[%swap3A_507, %swap3A_508] {strides = array<i32>} : memref<504x128xf32, #tpu.memory_space<vmem>>, vector<16xf32>,
      tpu.vector_store %arg6[%swap3A_507, %swap3A_508], %broadcast_in_dim3A_6 {strides = array<i32>} : memref<504x128xf32, #tpu.memory_space<vmem>>, vector<16xf32>,
      %mul3A_510 = arith.constant 4 : i32
      %mul3A_511 = arith.muli %scan3A_377, %mul3A_510 : i32
      %add3A_512 = arith.constant 2 : i32
      %add3A_513 = arith.addi %mul3A_511, %add3A_512 : i32
      %swap3A_514 = arith.index_cast %add3A_513 : i32 to index
      %swap3A_515 = arith.constant 48 : index
      %swap3A_516 = tpu.vector_load %arg6[%swap3A_514, %swap3A_515] {strides = array<i32>} : memref<504x128xf32, #tpu.memory_space<vmem>>, vector<16xf32>,
      tpu.vector_store %arg6[%swap3A_514, %swap3A_515], %broadcast_in_dim3A_6 {strides = array<i32>} : memref<504x128xf32, #tpu.memory_space<vmem>>, vector<16xf32>,
      %mul3A_517 = arith.constant 4 : i32
      %mul3A_518 = arith.muli %scan3A_377, %mul3A_517 : i32
      %add3A_519 = arith.constant 2 : i32
      %add3A_520 = arith.addi %mul3A_518, %add3A_519 : i32
      %swap3A_521 = arith.index_cast %add3A_520 : i32 to index
      %swap3A_522 = arith.constant 64 : index
      %swap3A_523 = tpu.vector_load %arg6[%swap3A_521, %swap3A_522] {strides = array<i32>} : memref<504x128xf32, #tpu.memory_space<vmem>>, vector<16xf32>,
      tpu.vector_store %arg6[%swap3A_521, %swap3A_522], %broadcast_in_dim3A_6 {strides = array<i32>} : memref<504x128xf32, #tpu.memory_space<vmem>>, vector<16xf32>,
      %mul3A_524 = arith.constant 4 : i32
      %mul3A_525 = arith.muli %scan3A_377, %mul3A_524 : i32
      %add3A_526 = arith.constant 2 : i32
      %add3A_527 = arith.addi %mul3A_525, %add3A_526 : i32
      %swap3A_528 = arith.index_cast %add3A_527 : i32 to index
      %swap3A_529 = arith.constant 80 : index
      %swap3A_530 = tpu.vector_load %arg6[%swap3A_528, %swap3A_529] {strides = array<i32>} : memref<504x128xf32, #tpu.memory_space<vmem>>, vector<16xf32>,
      tpu.vector_store %arg6[%swap3A_528, %swap3A_529], %broadcast_in_dim3A_6 {strides = array<i32>} : memref<504x128xf32, #tpu.memory_space<vmem>>, vector<16xf32>,
      %mul3A_531 = arith.constant 4 : i32
      %mul3A_532 = arith.muli %scan3A_377, %mul3A_531 : i32
      %add3A_533 = arith.constant 2 : i32
      %add3A_534 = arith.addi %mul3A_532, %add3A_533 : i32
      %swap3A_535 = arith.index_cast %add3A_534 : i32 to index
      %swap3A_536 = arith.constant 96 : index
      %swap3A_537 = tpu.vector_load %arg6[%swap3A_535, %swap3A_536] {strides = array<i32>} : memref<504x128xf32, #tpu.memory_space<vmem>>, vector<16xf32>,
      tpu.vector_store %arg6[%swap3A_535, %swap3A_536], %broadcast_in_dim3A_6 {strides = array<i32>} : memref<504x128xf32, #tpu.memory_space<vmem>>, vector<16xf32>,
      %mul3A_538 = arith.constant 4 : i32
      %mul3A_539 = arith.muli %scan3A_377, %mul3A_538 : i32
      %add3A_540 = arith.constant 2 : i32
      %add3A_541 = arith.addi %mul3A_539, %add3A_540 : i32
      %swap3A_542 = arith.index_cast %add3A_541 : i32 to index
      %swap3A_543 = arith.constant 112 : index
      %swap3A_544 = tpu.vector_load %arg6[%swap3A_542, %swap3A_543] {strides = array<i32>} : memref<504x128xf32, #tpu.memory_space<vmem>>, vector<16xf32>,
      tpu.vector_store %arg6[%swap3A_542, %swap3A_543], %broadcast_in_dim3A_6 {strides = array<i32>} : memref<504x128xf32, #tpu.memory_space<vmem>>, vector<16xf32>,
      %mul3A_545 = arith.constant 4 : i32
      %mul3A_546 = arith.muli %scan3A_377, %mul3A_545 : i32
      %add3A_547 = arith.constant 3 : i32
      %add3A_548 = arith.addi %mul3A_546, %add3A_547 : i32
      %swap3A_549 = arith.index_cast %add3A_548 : i32 to index
      %swap3A_550 = arith.constant 0 : index
      %swap3A_551 = tpu.vector_load %arg6[%swap3A_549, %swap3A_550] {strides = array<i32>} : memref<504x128xf32, #tpu.memory_space<vmem>>, vector<16xf32>,
      tpu.vector_store %arg6[%swap3A_549, %swap3A_550], %broadcast_in_dim3A_6 {strides = array<i32>} : memref<504x128xf32, #tpu.memory_space<vmem>>, vector<16xf32>,
      %mul3A_552 = arith.constant 4 : i32
      %mul3A_553 = arith.muli %scan3A_377, %mul3A_552 : i32
      %add3A_554 = arith.constant 3 : i32
      %add3A_555 = arith.addi %mul3A_553, %add3A_554 : i32
      %swap3A_556 = arith.index_cast %add3A_555 : i32 to index
      %swap3A_557 = arith.constant 16 : index
      %swap3A_558 = tpu.vector_load %arg6[%swap3A_556, %swap3A_557] {strides = array<i32>} : memref<504x128xf32, #tpu.memory_space<vmem>>, vector<16xf32>,
      tpu.vector_store %arg6[%swap3A_556, %swap3A_557], %broadcast_in_dim3A_6 {strides = array<i32>} : memref<504x128xf32, #tpu.memory_space<vmem>>, vector<16xf32>,
      %mul3A_559 = arith.constant 4 : i32
      %mul3A_560 = arith.muli %scan3A_377, %mul3A_559 : i32
      %add3A_561 = arith.constant 3 : i32
      %add3A_562 = arith.addi %mul3A_560, %add3A_561 : i32
      %swap3A_563 = arith.index_cast %add3A_562 : i32 to index
      %swap3A_564 = arith.constant 32 : index
      %swap3A_565 = tpu.vector_load %arg6[%swap3A_563, %swap3A_564] {strides = array<i32>} : memref<504x128xf32, #tpu.memory_space<vmem>>, vector<16xf32>,
      tpu.vector_store %arg6[%swap3A_563, %swap3A_564], %broadcast_in_dim3A_6 {strides = array<i32>} : memref<504x128xf32, #tpu.memory_space<vmem>>, vector<16xf32>,
      %mul3A_566 = arith.constant 4 : i32
      %mul3A_567 = arith.muli %scan3A_377, %mul3A_566 : i32
      %add3A_568 = arith.constant 3 : i32
      %add3A_569 = arith.addi %mul3A_567, %add3A_568 : i32
      %swap3A_570 = arith.index_cast %add3A_569 : i32 to index
      %swap3A_571 = arith.constant 48 : index
      %swap3A_572 = tpu.vector_load %arg6[%swap3A_570, %swap3A_571] {strides = array<i32>} : memref<504x128xf32, #tpu.memory_space<vmem>>, vector<16xf32>,
      tpu.vector_store %arg6[%swap3A_570, %swap3A_571], %broadcast_in_dim3A_6 {strides = array<i32>} : memref<504x128xf32, #tpu.memory_space<vmem>>, vector<16xf32>,
      %mul3A_573 = arith.constant 4 : i32
      %mul3A_574 = arith.muli %scan3A_377, %mul3A_573 : i32
      %add3A_575 = arith.constant 3 : i32
      %add3A_576 = arith.addi %mul3A_574, %add3A_575 : i32
      %swap3A_577 = arith.index_cast %add3A_576 : i32 to index
      %swap3A_578 = arith.constant 64 : index
      %swap3A_579 = tpu.vector_load %arg6[%swap3A_577, %swap3A_578] {strides = array<i32>} : memref<504x128xf32, #tpu.memory_space<vmem>>, vector<16xf32>,
      tpu.vector_store %arg6[%swap3A_577, %swap3A_578], %broadcast_in_dim3A_6 {strides = array<i32>} : memref<504x128xf32, #tpu.memory_space<vmem>>, vector<16xf32>,
      %mul3A_580 = arith.constant 4 : i32
      %mul3A_581 = arith.muli %scan3A_377, %mul3A_580 : i32
      %add3A_582 = arith.constant 3 : i32
      %add3A_583 = arith.addi %mul3A_581, %add3A_582 : i32
      %swap3A_584 = arith.index_cast %add3A_583 : i32 to index
      %swap3A_585 = arith.constant 80 : index
      %swap3A_586 = tpu.vector_load %arg6[%swap3A_584, %swap3A_585] {strides = array<i32>} : memref<504x128xf32, #tpu.memory_space<vmem>>, vector<16xf32>,
      tpu.vector_store %arg6[%swap3A_584, %swap3A_585], %broadcast_in_dim3A_6 {strides = array<i32>} : memref<504x128xf32, #tpu.memory_space<vmem>>, vector<16xf32>,
      %mul3A_587 = arith.constant 4 : i32
      %mul3A_588 = arith.muli %scan3A_377, %mul3A_587 : i32
      %add3A_589 = arith.constant 3 : i32
      %add3A_590 = arith.addi %mul3A_588, %add3A_589 : i32
      %swap3A_591 = arith.index_cast %add3A_590 : i32 to index
      %swap3A_592 = arith.constant 96 : index
      %swap3A_593 = tpu.vector_load %arg6[%swap3A_591, %swap3A_592] {strides = array<i32>} : memref<504x128xf32, #tpu.memory_space<vmem>>, vector<16xf32>,
      tpu.vector_store %arg6[%swap3A_591, %swap3A_592], %broadcast_in_dim3A_6 {strides = array<i32>} : memref<504x128xf32, #tpu.memory_space<vmem>>, vector<16xf32>,
      %mul3A_594 = arith.constant 4 : i32
      %mul3A_595 = arith.muli %scan3A_377, %mul3A_594 : i32
      %add3A_596 = arith.constant 3 : i32
      %add3A_597 = arith.addi %mul3A_595, %add3A_596 : i32
      %swap3A_598 = arith.index_cast %add3A_597 : i32 to index
      %swap3A_599 = arith.constant 112 : index
      %swap3A_600 = tpu.vector_load %arg6[%swap3A_598, %swap3A_599] {strides = array<i32>} : memref<504x128xf32, #tpu.memory_space<vmem>>, vector<16xf32>,
      tpu.vector_store %arg6[%swap3A_598, %swap3A_599], %broadcast_in_dim3A_6 {strides = array<i32>} : memref<504x128xf32, #tpu.memory_space<vmem>>, vector<16xf32>,
    }
    %scan3A_184 = arith.constant 126 : i32
    %get3A_185 = arith.constant 0 : index
    %get3A_186 = tpu.vector_load %arg4[%get3A_185] {strides = array<i32>} : memref<2560xi32, #tpu.memory_space<vmem>>, vector<16xi32>,
    %ge3A_187 = arith.constant 496 : i32
    %ge3A_188 = vector.broadcast %ge3A_187 : i32 to vector<16xi32>
    %ge3A_189 = arith.cmpi sge, %get3A_186, %ge3A_188 : vector<16xi32>
    %lt3A_190 = arith.constant 1000 : i32
    %lt3A_191 = vector.broadcast %lt3A_190 : i32 to vector<16xi32>
    %lt3A_192 = arith.cmpi slt, %get3A_186, %lt3A_191 : vector<16xi32>
    %and3A_193 = arith.andi %ge3A_189, %lt3A_192 : vector<16xi1>
    %sub3A_194 = arith.constant 496 : i32
    %sub3A_195 = vector.broadcast %sub3A_194 : i32 to vector<16xi32>
    %sub3A_196 = arith.subi %get3A_186, %sub3A_195 : vector<16xi32>
    %jit3A_197 = arith.constant 0 : i32
    %jit3A_198 = arith.constant 503 : i32
    %max3A_199 = vector.broadcast %jit3A_197 : i32 to vector<16xi32>
    %max3A_200 = arith.maxsi %max3A_199, %sub3A_196 : vector<16xi32>
    %min3A_201 = vector.broadcast %jit3A_198 : i32 to vector<16xi32>
    %min3A_202 = arith.minsi %min3A_201, %max3A_200 : vector<16xi32>
    %add3A_203 = arith.constant 0 : i32
    %add3A_204 = vector.broadcast %add3A_203 : i32 to vector<16xi32>
    %add3A_205 = arith.addi %add3A_204, %iota3A : vector<16xi32>
    tpu.vector_store_idx %arg6[%min3A_202, %add3A_205], %broadcast_in_dim3A_4 masked %and3A_193 : memref<504x128xf32, #tpu.memory_space<vmem>>[vector<16xi32>, vector<16xi32>], vector<16xf32>, vector<16xi1>
    %get3A_206 = arith.constant 16 : index
    %get3A_207 = tpu.vector_load %arg4[%get3A_206] {strides = array<i32>} : memref<2560xi32, #tpu.memory_space<vmem>>, vector<16xi32>,
    %ge3A_208 = arith.constant 496 : i32
    %ge3A_209 = vector.broadcast %ge3A_208 : i32 to vector<16xi32>
    %ge3A_210 = arith.cmpi sge, %get3A_207, %ge3A_209 : vector<16xi32>
    %lt3A_211 = arith.constant 1000 : i32
    %lt3A_212 = vector.broadcast %lt3A_211 : i32 to vector<16xi32>
    %lt3A_213 = arith.cmpi slt, %get3A_207, %lt3A_212 : vector<16xi32>
    %and3A_214 = arith.andi %ge3A_210, %lt3A_213 : vector<16xi1>
    %sub3A_215 = arith.constant 496 : i32
    %sub3A_216 = vector.broadcast %sub3A_215 : i32 to vector<16xi32>
    %sub3A_217 = arith.subi %get3A_207, %sub3A_216 : vector<16xi32>
    %jit3A_218 = arith.constant 0 : i32
    %jit3A_219 = arith.constant 503 : i32
    %max3A_220 = vector.broadcast %jit3A_218 : i32 to vector<16xi32>
    %max3A_221 = arith.maxsi %max3A_220, %sub3A_217 : vector<16xi32>
    %min3A_222 = vector.broadcast %jit3A_219 : i32 to vector<16xi32>
    %min3A_223 = arith.minsi %min3A_222, %max3A_221 : vector<16xi32>
    %add3A_224 = arith.constant 16 : i32
    %add3A_225 = vector.broadcast %add3A_224 : i32 to vector<16xi32>
    %add3A_226 = arith.addi %add3A_225, %iota3A : vector<16xi32>
    tpu.vector_store_idx %arg6[%min3A_223, %add3A_226], %broadcast_in_dim3A_4 masked %and3A_214 : memref<504x128xf32, #tpu.memory_space<vmem>>[vector<16xi32>, vector<16xi32>], vector<16xf32>, vector<16xi1>
    %get3A_227 = arith.constant 32 : index
    %get3A_228 = tpu.vector_load %arg4[%get3A_227] {strides = array<i32>} : memref<2560xi32, #tpu.memory_space<vmem>>, vector<16xi32>,
    %ge3A_229 = arith.constant 496 : i32
    %ge3A_230 = vector.broadcast %ge3A_229 : i32 to vector<16xi32>
    %ge3A_231 = arith.cmpi sge, %get3A_228, %ge3A_230 : vector<16xi32>
    %lt3A_232 = arith.constant 1000 : i32
    %lt3A_233 = vector.broadcast %lt3A_232 : i32 to vector<16xi32>
    %lt3A_234 = arith.cmpi slt, %get3A_228, %lt3A_233 : vector<16xi32>
    %and3A_235 = arith.andi %ge3A_231, %lt3A_234 : vector<16xi1>
    %sub3A_236 = arith.constant 496 : i32
    %sub3A_237 = vector.broadcast %sub3A_236 : i32 to vector<16xi32>
    %sub3A_238 = arith.subi %get3A_228, %sub3A_237 : vector<16xi32>
    %jit3A_239 = arith.constant 0 : i32
    %jit3A_240 = arith.constant 503 : i32
    %max3A_241 = vector.broadcast %jit3A_239 : i32 to vector<16xi32>
    %max3A_242 = arith.maxsi %max3A_241, %sub3A_238 : vector<16xi32>
    %min3A_243 = vector.broadcast %jit3A_240 : i32 to vector<16xi32>
    %min3A_244 = arith.minsi %min3A_243, %max3A_242 : vector<16xi32>
    %add3A_245 = arith.constant 32 : i32
    %add3A_246 = vector.broadcast %add3A_245 : i32 to vector<16xi32>
    %add3A_247 = arith.addi %add3A_246, %iota3A : vector<16xi32>
    tpu.vector_store_idx %arg6[%min3A_244, %add3A_247], %broadcast_in_dim3A_4 masked %and3A_235 : memref<504x128xf32, #tpu.memory_space<vmem>>[vector<16xi32>, vector<16xi32>], vector<16xf32>, vector<16xi1>
    %get3A_248 = arith.constant 48 : index
    %get3A_249 = tpu.vector_load %arg4[%get3A_248] {strides = array<i32>} : memref<2560xi32, #tpu.memory_space<vmem>>, vector<16xi32>,
    %ge3A_250 = arith.constant 496 : i32
    %ge3A_251 = vector.broadcast %ge3A_250 : i32 to vector<16xi32>
    %ge3A_252 = arith.cmpi sge, %get3A_249, %ge3A_251 : vector<16xi32>
    %lt3A_253 = arith.constant 1000 : i32
    %lt3A_254 = vector.broadcast %lt3A_253 : i32 to vector<16xi32>
    %lt3A_255 = arith.cmpi slt, %get3A_249, %lt3A_254 : vector<16xi32>
    %and3A_256 = arith.andi %ge3A_252, %lt3A_255 : vector<16xi1>
    %sub3A_257 = arith.constant 496 : i32
    %sub3A_258 = vector.broadcast %sub3A_257 : i32 to vector<16xi32>
    %sub3A_259 = arith.subi %get3A_249, %sub3A_258 : vector<16xi32>
    %jit3A_260 = arith.constant 0 : i32
    %jit3A_261 = arith.constant 503 : i32
    %max3A_262 = vector.broadcast %jit3A_260 : i32 to vector<16xi32>
    %max3A_263 = arith.maxsi %max3A_262, %sub3A_259 : vector<16xi32>
    %min3A_264 = vector.broadcast %jit3A_261 : i32 to vector<16xi32>
    %min3A_265 = arith.minsi %min3A_264, %max3A_263 : vector<16xi32>
    %add3A_266 = arith.constant 48 : i32
    %add3A_267 = vector.broadcast %add3A_266 : i32 to vector<16xi32>
    %add3A_268 = arith.addi %add3A_267, %iota3A : vector<16xi32>
    tpu.vector_store_idx %arg6[%min3A_265, %add3A_268], %broadcast_in_dim3A_4 masked %and3A_256 : memref<504x128xf32, #tpu.memory_space<vmem>>[vector<16xi32>, vector<16xi32>], vector<16xf32>, vector<16xi1>
    %get3A_269 = arith.constant 64 : index
    %get3A_270 = tpu.vector_load %arg4[%get3A_269] {strides = array<i32>} : memref<2560xi32, #tpu.memory_space<vmem>>, vector<16xi32>,
    %ge3A_271 = arith.constant 496 : i32
    %ge3A_272 = vector.broadcast %ge3A_271 : i32 to vector<16xi32>
    %ge3A_273 = arith.cmpi sge, %get3A_270, %ge3A_272 : vector<16xi32>
    %lt3A_274 = arith.constant 1000 : i32
    %lt3A_275 = vector.broadcast %lt3A_274 : i32 to vector<16xi32>
    %lt3A_276 = arith.cmpi slt, %get3A_270, %lt3A_275 : vector<16xi32>
    %and3A_277 = arith.andi %ge3A_273, %lt3A_276 : vector<16xi1>
    %sub3A_278 = arith.constant 496 : i32
    %sub3A_279 = vector.broadcast %sub3A_278 : i32 to vector<16xi32>
    %sub3A_280 = arith.subi %get3A_270, %sub3A_279 : vector<16xi32>
    %jit3A_281 = arith.constant 0 : i32
    %jit3A_282 = arith.constant 503 : i32
    %max3A_283 = vector.broadcast %jit3A_281 : i32 to vector<16xi32>
    %max3A_284 = arith.maxsi %max3A_283, %sub3A_280 : vector<16xi32>
    %min3A_285 = vector.broadcast %jit3A_282 : i32 to vector<16xi32>
    %min3A_286 = arith.minsi %min3A_285, %max3A_284 : vector<16xi32>
    %add3A_287 = arith.constant 64 : i32
    %add3A_288 = vector.broadcast %add3A_287 : i32 to vector<16xi32>
    %add3A_289 = arith.addi %add3A_288, %iota3A : vector<16xi32>
    tpu.vector_store_idx %arg6[%min3A_286, %add3A_289], %broadcast_in_dim3A_4 masked %and3A_277 : memref<504x128xf32, #tpu.memory_space<vmem>>[vector<16xi32>, vector<16xi32>], vector<16xf32>, vector<16xi1>
    %get3A_290 = arith.constant 80 : index
    %get3A_291 = tpu.vector_load %arg4[%get3A_290] {strides = array<i32>} : memref<2560xi32, #tpu.memory_space<vmem>>, vector<16xi32>,
    %ge3A_292 = arith.constant 496 : i32
    %ge3A_293 = vector.broadcast %ge3A_292 : i32 to vector<16xi32>
    %ge3A_294 = arith.cmpi sge, %get3A_291, %ge3A_293 : vector<16xi32>
    %lt3A_295 = arith.constant 1000 : i32
    %lt3A_296 = vector.broadcast %lt3A_295 : i32 to vector<16xi32>
    %lt3A_297 = arith.cmpi slt, %get3A_291, %lt3A_296 : vector<16xi32>
    %and3A_298 = arith.andi %ge3A_294, %lt3A_297 : vector<16xi1>
    %sub3A_299 = arith.constant 496 : i32
    %sub3A_300 = vector.broadcast %sub3A_299 : i32 to vector<16xi32>
    %sub3A_301 = arith.subi %get3A_291, %sub3A_300 : vector<16xi32>
    %jit3A_302 = arith.constant 0 : i32
    %jit3A_303 = arith.constant 503 : i32
    %max3A_304 = vector.broadcast %jit3A_302 : i32 to vector<16xi32>
    %max3A_305 = arith.maxsi %max3A_304, %sub3A_301 : vector<16xi32>
    %min3A_306 = vector.broadcast %jit3A_303 : i32 to vector<16xi32>
    %min3A_307 = arith.minsi %min3A_306, %max3A_305 : vector<16xi32>
    %add3A_308 = arith.constant 80 : i32
    %add3A_309 = vector.broadcast %add3A_308 : i32 to vector<16xi32>
    %add3A_310 = arith.addi %add3A_309, %iota3A : vector<16xi32>
    tpu.vector_store_idx %arg6[%min3A_307, %add3A_310], %broadcast_in_dim3A_4 masked %and3A_298 : memref<504x128xf32, #tpu.memory_space<vmem>>[vector<16xi32>, vector<16xi32>], vector<16xf32>, vector<16xi1>
    %get3A_311 = arith.constant 96 : index
    %get3A_312 = tpu.vector_load %arg4[%get3A_311] {strides = array<i32>} : memref<2560xi32, #tpu.memory_space<vmem>>, vector<16xi32>,
    %ge3A_313 = arith.constant 496 : i32
    %ge3A_314 = vector.broadcast %ge3A_313 : i32 to vector<16xi32>
    %ge3A_315 = arith.cmpi sge, %get3A_312, %ge3A_314 : vector<16xi32>
    %lt3A_316 = arith.constant 1000 : i32
    %lt3A_317 = vector.broadcast %lt3A_316 : i32 to vector<16xi32>
    %lt3A_318 = arith.cmpi slt, %get3A_312, %lt3A_317 : vector<16xi32>
    %and3A_319 = arith.andi %ge3A_315, %lt3A_318 : vector<16xi1>
    %sub3A_320 = arith.constant 496 : i32
    %sub3A_321 = vector.broadcast %sub3A_320 : i32 to vector<16xi32>
    %sub3A_322 = arith.subi %get3A_312, %sub3A_321 : vector<16xi32>
    %jit3A_323 = arith.constant 0 : i32
    %jit3A_324 = arith.constant 503 : i32
    %max3A_325 = vector.broadcast %jit3A_323 : i32 to vector<16xi32>
    %max3A_326 = arith.maxsi %max3A_325, %sub3A_322 : vector<16xi32>
    %min3A_327 = vector.broadcast %jit3A_324 : i32 to vector<16xi32>
    %min3A_328 = arith.minsi %min3A_327, %max3A_326 : vector<16xi32>
    %add3A_329 = arith.constant 96 : i32
    %add3A_330 = vector.broadcast %add3A_329 : i32 to vector<16xi32>
    %add3A_331 = arith.addi %add3A_330, %iota3A : vector<16xi32>
    tpu.vector_store_idx %arg6[%min3A_328, %add3A_331], %broadcast_in_dim3A_4 masked %and3A_319 : memref<504x128xf32, #tpu.memory_space<vmem>>[vector<16xi32>, vector<16xi32>], vector<16xf32>, vector<16xi1>
    %get3A_332 = arith.constant 112 : index
    %get3A_333 = tpu.vector_load %arg4[%get3A_332] {strides = array<i32>} : memref<2560xi32, #tpu.memory_space<vmem>>, vector<16xi32>,
    %ge3A_334 = arith.constant 496 : i32
    %ge3A_335 = vector.broadcast %ge3A_334 : i32 to vector<16xi32>
    %ge3A_336 = arith.cmpi sge, %get3A_333, %ge3A_335 : vector<16xi32>
    %lt3A_337 = arith.constant 1000 : i32
    %lt3A_338 = vector.broadcast %lt3A_337 : i32 to vector<16xi32>
    %lt3A_339 = arith.cmpi slt, %get3A_333, %lt3A_338 : vector<16xi32>
    %and3A_340 = arith.andi %ge3A_336, %lt3A_339 : vector<16xi1>
    %sub3A_341 = arith.constant 496 : i32
    %sub3A_342 = vector.broadcast %sub3A_341 : i32 to vector<16xi32>
    %sub3A_343 = arith.subi %get3A_333, %sub3A_342 : vector<16xi32>
    %jit3A_344 = arith.constant 0 : i32
    %jit3A_345 = arith.constant 503 : i32
    %max3A_346 = vector.broadcast %jit3A_344 : i32 to vector<16xi32>
    %max3A_347 = arith.maxsi %max3A_346, %sub3A_343 : vector<16xi32>
    %min3A_348 = vector.broadcast %jit3A_345 : i32 to vector<16xi32>
    %min3A_349 = arith.minsi %min3A_348, %max3A_347 : vector<16xi32>
    %add3A_350 = arith.constant 112 : i32
    %add3A_351 = vector.broadcast %add3A_350 : i32 to vector<16xi32>
    %add3A_352 = arith.addi %add3A_351, %iota3A : vector<16xi32>
    tpu.vector_store_idx %arg6[%min3A_349, %add3A_352], %broadcast_in_dim3A_4 masked %and3A_340 : memref<504x128xf32, #tpu.memory_space<vmem>>[vector<16xi32>, vector<16xi32>], vector<16xf32>, vector<16xi1>
    %add3A_353 = arith.constant 0 : i32
    %add3A_354 = arith.addi %mul3A_2, %add3A_353 : i32
    %dma_start3A_355 = arith.constant 496 : i32
    %dma_start3A_356 = tpu.memref_slice %arg3[%dma_start3A_355, %add3A_354] : memref<1000x81920xf32, #tpu.memory_space<hbm>> -> memref<504x128xf32, #tpu.memory_space<hbm>>
    %dma_start3A_357 = arith.constant 496 : i32
    %dma_start3A_358 = tpu.memref_slice %arg3[%dma_start3A_357, %add3A_354] : memref<1000x81920xf32, #tpu.memory_space<hbm>> -> memref<504x128xf32, #tpu.memory_space<hbm>>
    tpu.enqueue_dma source(%arg6 : memref<504x128xf32, #tpu.memory_space<vmem>>) target(%dma_start3A_358 : memref<504x128xf32, #tpu.memory_space<hbm>>) target_semaphore(%arg8 : memref<!tpu.dma_semaphore, #tpu.memory_space<semaphore_mem>>)
    %scan3A_359 = arith.constant 0 : i32
    %scan3A_360 = arith.constant 1 : i32
    %scan3A_361 = arith.constant 19 : i32
    %scan3A_362 = arith.addi %scan3A_360, %scan3A_361 : i32
    %scan3A_363 = arith.constant 1 : i32
    scf.for %scan3A_377 = %scan3A_360 to %scan3A_362 step %scan3A_363  : i32 {
      %sub3A_378 = arith.constant 1 : i32
      %sub3A_379 = arith.subi %scan3A_377, %sub3A_378 : i32
      %mul3A_380 = arith.constant 128 : i32
      %mul3A_381 = arith.muli %sub3A_379, %mul3A_380 : i32
      %add3A_382 = arith.addi %mul3A_2, %mul3A_381 : i32
      %dma_wait3A_383 = arith.constant 0 : i32
      %dma_wait3A_384 = tpu.memref_slice %arg3[%dma_wait3A_383, %add3A_382] : memref<1000x81920xf32, #tpu.memory_space<hbm>> -> memref<496x128xf32, #tpu.memory_space<hbm>>
      %dma_wait3A_385 = arith.constant 0 : i32
      %dma_wait3A_386 = tpu.memref_slice %arg3[%dma_wait3A_385, %add3A_382] : memref<1000x81920xf32, #tpu.memory_space<hbm>> -> memref<496x128xf32, #tpu.memory_space<hbm>>
      tpu.wait_dma2 semaphore(%arg7 : memref<!tpu.dma_semaphore, #tpu.memory_space<semaphore_mem>>) src(%arg5 : memref<496x128xf32, #tpu.memory_space<vmem>>) dst(%dma_wait3A_386 : memref<496x128xf32, #tpu.memory_space<hbm>>)
      %sub3A_387 = arith.constant 1 : i32
      %sub3A_388 = arith.subi %scan3A_377, %sub3A_387 : i32
      %mul3A_389 = arith.constant 128 : i32
      %mul3A_390 = arith.muli %sub3A_388, %mul3A_389 : i32
      %add3A_391 = arith.constant 0 : i32
      %add3A_392 = arith.addi %mul3A_390, %add3A_391 : i32
      %get3A_393 = arith.index_cast %add3A_392 : i32 to index
      %get3A_394 = tpu.vector_load %arg4[%get3A_393] {strides = array<i32>} : memref<2560xi32, #tpu.memory_space<vmem>>, vector<16xi32>,
      %ge3A_395 = arith.constant 0 : i32
      %ge3A_396 = vector.broadcast %ge3A_395 : i32 to vector<16xi32>
      %ge3A_397 = arith.cmpi sge, %get3A_394, %ge3A_396 : vector<16xi32>
      %lt3A_398 = arith.constant 496 : i32
      %lt3A_399 = vector.broadcast %lt3A_398 : i32 to vector<16xi32>
      %lt3A_400 = arith.cmpi slt, %get3A_394, %lt3A_399 : vector<16xi32>
      %and3A_401 = arith.andi %ge3A_397, %lt3A_400 : vector<16xi1>
      %sub3A_402 = arith.constant 0 : i32
      %sub3A_403 = vector.broadcast %sub3A_402 : i32 to vector<16xi32>
      %sub3A_404 = arith.subi %get3A_394, %sub3A_403 : vector<16xi32>
      %jit3A_405 = arith.constant 0 : i32
      %jit3A_406 = arith.constant 495 : i32
      %max3A_407 = vector.broadcast %jit3A_405 : i32 to vector<16xi32>
      %max3A_408 = arith.maxsi %max3A_407, %sub3A_404 : vector<16xi32>
      %min3A_409 = vector.broadcast %jit3A_406 : i32 to vector<16xi32>
      %min3A_410 = arith.minsi %min3A_409, %max3A_408 : vector<16xi32>
      %add3A_411 = arith.constant 0 : i32
      %add3A_412 = vector.broadcast %add3A_411 : i32 to vector<16xi32>
      %add3A_413 = arith.addi %add3A_412, %iota3A : vector<16xi32>
      tpu.vector_store_idx %arg5[%min3A_410, %add3A_413], %broadcast_in_dim3A_6 masked %and3A_401 : memref<496x128xf32, #tpu.memory_space<vmem>>[vector<16xi32>, vector<16xi32>], vector<16xf32>, vector<16xi1>
      %mul3A_414 = arith.constant 128 : i32
      %mul3A_415 = arith.muli %sub3A_388, %mul3A_414 : i32
      %add3A_416 = arith.constant 16 : i32
      %add3A_417 = arith.addi %mul3A_415, %add3A_416 : i32
      %get3A_418 = arith.index_cast %add3A_417 : i32 to index
      %get3A_419 = tpu.vector_load %arg4[%get3A_418] {strides = array<i32>} : memref<2560xi32, #tpu.memory_space<vmem>>, vector<16xi32>,
      %ge3A_420 = arith.constant 0 : i32
      %ge3A_421 = vector.broadcast %ge3A_420 : i32 to vector<16xi32>
      %ge3A_422 = arith.cmpi sge, %get3A_419, %ge3A_421 : vector<16xi32>
      %lt3A_423 = arith.constant 496 : i32
      %lt3A_424 = vector.broadcast %lt3A_423 : i32 to vector<16xi32>
      %lt3A_425 = arith.cmpi slt, %get3A_419, %lt3A_424 : vector<16xi32>
      %and3A_426 = arith.andi %ge3A_422, %lt3A_425 : vector<16xi1>
      %sub3A_427 = arith.constant 0 : i32
      %sub3A_428 = vector.broadcast %sub3A_427 : i32 to vector<16xi32>
      %sub3A_429 = arith.subi %get3A_419, %sub3A_428 : vector<16xi32>
      %jit3A_430 = arith.constant 0 : i32
      %jit3A_431 = arith.constant 495 : i32
      %max3A_432 = vector.broadcast %jit3A_430 : i32 to vector<16xi32>
      %max3A_433 = arith.maxsi %max3A_432, %sub3A_429 : vector<16xi32>
      %min3A_434 = vector.broadcast %jit3A_431 : i32 to vector<16xi32>
      %min3A_435 = arith.minsi %min3A_434, %max3A_433 : vector<16xi32>
      %add3A_436 = arith.constant 16 : i32
      %add3A_437 = vector.broadcast %add3A_436 : i32 to vector<16xi32>
      %add3A_438 = arith.addi %add3A_437, %iota3A : vector<16xi32>
      tpu.vector_store_idx %arg5[%min3A_435, %add3A_438], %broadcast_in_dim3A_6 masked %and3A_426 : memref<496x128xf32, #tpu.memory_space<vmem>>[vector<16xi32>, vector<16xi32>], vector<16xf32>, vector<16xi1>
      %mul3A_439 = arith.constant 128 : i32
      %mul3A_440 = arith.muli %sub3A_388, %mul3A_439 : i32
      %add3A_441 = arith.constant 32 : i32
      %add3A_442 = arith.addi %mul3A_440, %add3A_441 : i32
      %get3A_443 = arith.index_cast %add3A_442 : i32 to index
      %get3A_444 = tpu.vector_load %arg4[%get3A_443] {strides = array<i32>} : memref<2560xi32, #tpu.memory_space<vmem>>, vector<16xi32>,
      %ge3A_445 = arith.constant 0 : i32
      %ge3A_446 = vector.broadcast %ge3A_445 : i32 to vector<16xi32>
      %ge3A_447 = arith.cmpi sge, %get3A_444, %ge3A_446 : vector<16xi32>
      %lt3A_448 = arith.constant 496 : i32
      %lt3A_449 = vector.broadcast %lt3A_448 : i32 to vector<16xi32>
      %lt3A_450 = arith.cmpi slt, %get3A_444, %lt3A_449 : vector<16xi32>
      %and3A_451 = arith.andi %ge3A_447, %lt3A_450 : vector<16xi1>
      %sub3A_452 = arith.constant 0 : i32
      %sub3A_453 = vector.broadcast %sub3A_452 : i32 to vector<16xi32>
      %sub3A_454 = arith.subi %get3A_444, %sub3A_453 : vector<16xi32>
      %jit3A_455 = arith.constant 0 : i32
      %jit3A_456 = arith.constant 495 : i32
      %max3A_457 = vector.broadcast %jit3A_455 : i32 to vector<16xi32>
      %max3A_458 = arith.maxsi %max3A_457, %sub3A_454 : vector<16xi32>
      %min3A_459 = vector.broadcast %jit3A_456 : i32 to vector<16xi32>
      %min3A_460 = arith.minsi %min3A_459, %max3A_458 : vector<16xi32>
      %add3A_461 = arith.constant 32 : i32
      %add3A_462 = vector.broadcast %add3A_461 : i32 to vector<16xi32>
      %add3A_463 = arith.addi %add3A_462, %iota3A : vector<16xi32>
      tpu.vector_store_idx %arg5[%min3A_460, %add3A_463], %broadcast_in_dim3A_6 masked %and3A_451 : memref<496x128xf32, #tpu.memory_space<vmem>>[vector<16xi32>, vector<16xi32>], vector<16xf32>, vector<16xi1>
      %mul3A_464 = arith.constant 128 : i32
      %mul3A_465 = arith.muli %sub3A_388, %mul3A_464 : i32
      %add3A_466 = arith.constant 48 : i32
      %add3A_467 = arith.addi %mul3A_465, %add3A_466 : i32
      %get3A_468 = arith.index_cast %add3A_467 : i32 to index
      %get3A_469 = tpu.vector_load %arg4[%get3A_468] {strides = array<i32>} : memref<2560xi32, #tpu.memory_space<vmem>>, vector<16xi32>,
      %ge3A_470 = arith.constant 0 : i32
      %ge3A_471 = vector.broadcast %ge3A_470 : i32 to vector<16xi32>
      %ge3A_472 = arith.cmpi sge, %get3A_469, %ge3A_471 : vector<16xi32>
      %lt3A_473 = arith.constant 496 : i32
      %lt3A_474 = vector.broadcast %lt3A_473 : i32 to vector<16xi32>
      %lt3A_475 = arith.cmpi slt, %get3A_469, %lt3A_474 : vector<16xi32>
      %and3A_476 = arith.andi %ge3A_472, %lt3A_475 : vector<16xi1>
      %sub3A_477 = arith.constant 0 : i32
      %sub3A_478 = vector.broadcast %sub3A_477 : i32 to vector<16xi32>
      %sub3A_479 = arith.subi %get3A_469, %sub3A_478 : vector<16xi32>
      %jit3A_480 = arith.constant 0 : i32
      %jit3A_481 = arith.constant 495 : i32
      %max3A_482 = vector.broadcast %jit3A_480 : i32 to vector<16xi32>
      %max3A_483 = arith.maxsi %max3A_482, %sub3A_479 : vector<16xi32>
      %min3A_484 = vector.broadcast %jit3A_481 : i32 to vector<16xi32>
      %min3A_485 = arith.minsi %min3A_484, %max3A_483 : vector<16xi32>
      %add3A_486 = arith.constant 48 : i32
      %add3A_487 = vector.broadcast %add3A_486 : i32 to vector<16xi32>
      %add3A_488 = arith.addi %add3A_487, %iota3A : vector<16xi32>
      tpu.vector_store_idx %arg5[%min3A_485, %add3A_488], %broadcast_in_dim3A_6 masked %and3A_476 : memref<496x128xf32, #tpu.memory_space<vmem>>[vector<16xi32>, vector<16xi32>], vector<16xf32>, vector<16xi1>
      %mul3A_489 = arith.constant 128 : i32
      %mul3A_490 = arith.muli %sub3A_388, %mul3A_489 : i32
      %add3A_491 = arith.constant 64 : i32
      %add3A_492 = arith.addi %mul3A_490, %add3A_491 : i32
      %get3A_493 = arith.index_cast %add3A_492 : i32 to index
      %get3A_494 = tpu.vector_load %arg4[%get3A_493] {strides = array<i32>} : memref<2560xi32, #tpu.memory_space<vmem>>, vector<16xi32>,
      %ge3A_495 = arith.constant 0 : i32
      %ge3A_496 = vector.broadcast %ge3A_495 : i32 to vector<16xi32>
      %ge3A_497 = arith.cmpi sge, %get3A_494, %ge3A_496 : vector<16xi32>
      %lt3A_498 = arith.constant 496 : i32
      %lt3A_499 = vector.broadcast %lt3A_498 : i32 to vector<16xi32>
      %lt3A_500 = arith.cmpi slt, %get3A_494, %lt3A_499 : vector<16xi32>
      %and3A_501 = arith.andi %ge3A_497, %lt3A_500 : vector<16xi1>
      %sub3A_502 = arith.constant 0 : i32
      %sub3A_503 = vector.broadcast %sub3A_502 : i32 to vector<16xi32>
      %sub3A_504 = arith.subi %get3A_494, %sub3A_503 : vector<16xi32>
      %jit3A_505 = arith.constant 0 : i32
      %jit3A_506 = arith.constant 495 : i32
      %max3A_507 = vector.broadcast %jit3A_505 : i32 to vector<16xi32>
      %max3A_508 = arith.maxsi %max3A_507, %sub3A_504 : vector<16xi32>
      %min3A_509 = vector.broadcast %jit3A_506 : i32 to vector<16xi32>
      %min3A_510 = arith.minsi %min3A_509, %max3A_508 : vector<16xi32>
      %add3A_511 = arith.constant 64 : i32
      %add3A_512 = vector.broadcast %add3A_511 : i32 to vector<16xi32>
      %add3A_513 = arith.addi %add3A_512, %iota3A : vector<16xi32>
      tpu.vector_store_idx %arg5[%min3A_510, %add3A_513], %broadcast_in_dim3A_6 masked %and3A_501 : memref<496x128xf32, #tpu.memory_space<vmem>>[vector<16xi32>, vector<16xi32>], vector<16xf32>, vector<16xi1>
      %mul3A_514 = arith.constant 128 : i32
      %mul3A_515 = arith.muli %sub3A_388, %mul3A_514 : i32
      %add3A_516 = arith.constant 80 : i32
      %add3A_517 = arith.addi %mul3A_515, %add3A_516 : i32
      %get3A_518 = arith.index_cast %add3A_517 : i32 to index
      %get3A_519 = tpu.vector_load %arg4[%get3A_518] {strides = array<i32>} : memref<2560xi32, #tpu.memory_space<vmem>>, vector<16xi32>,
      %ge3A_520 = arith.constant 0 : i32
      %ge3A_521 = vector.broadcast %ge3A_520 : i32 to vector<16xi32>
      %ge3A_522 = arith.cmpi sge, %get3A_519, %ge3A_521 : vector<16xi32>
      %lt3A_523 = arith.constant 496 : i32
      %lt3A_524 = vector.broadcast %lt3A_523 : i32 to vector<16xi32>
      %lt3A_525 = arith.cmpi slt, %get3A_519, %lt3A_524 : vector<16xi32>
      %and3A_526 = arith.andi %ge3A_522, %lt3A_525 : vector<16xi1>
      %sub3A_527 = arith.constant 0 : i32
      %sub3A_528 = vector.broadcast %sub3A_527 : i32 to vector<16xi32>
      %sub3A_529 = arith.subi %get3A_519, %sub3A_528 : vector<16xi32>
      %jit3A_530 = arith.constant 0 : i32
      %jit3A_531 = arith.constant 495 : i32
      %max3A_532 = vector.broadcast %jit3A_530 : i32 to vector<16xi32>
      %max3A_533 = arith.maxsi %max3A_532, %sub3A_529 : vector<16xi32>
      %min3A_534 = vector.broadcast %jit3A_531 : i32 to vector<16xi32>
      %min3A_535 = arith.minsi %min3A_534, %max3A_533 : vector<16xi32>
      %add3A_536 = arith.constant 80 : i32
      %add3A_537 = vector.broadcast %add3A_536 : i32 to vector<16xi32>
      %add3A_538 = arith.addi %add3A_537, %iota3A : vector<16xi32>
      tpu.vector_store_idx %arg5[%min3A_535, %add3A_538], %broadcast_in_dim3A_6 masked %and3A_526 : memref<496x128xf32, #tpu.memory_space<vmem>>[vector<16xi32>, vector<16xi32>], vector<16xf32>, vector<16xi1>
      %mul3A_539 = arith.constant 128 : i32
      %mul3A_540 = arith.muli %sub3A_388, %mul3A_539 : i32
      %add3A_541 = arith.constant 96 : i32
      %add3A_542 = arith.addi %mul3A_540, %add3A_541 : i32
      %get3A_543 = arith.index_cast %add3A_542 : i32 to index
      %get3A_544 = tpu.vector_load %arg4[%get3A_543] {strides = array<i32>} : memref<2560xi32, #tpu.memory_space<vmem>>, vector<16xi32>,
      %ge3A_545 = arith.constant 0 : i32
      %ge3A_546 = vector.broadcast %ge3A_545 : i32 to vector<16xi32>
      %ge3A_547 = arith.cmpi sge, %get3A_544, %ge3A_546 : vector<16xi32>
      %lt3A_548 = arith.constant 496 : i32
      %lt3A_549 = vector.broadcast %lt3A_548 : i32 to vector<16xi32>
      %lt3A_550 = arith.cmpi slt, %get3A_544, %lt3A_549 : vector<16xi32>
      %and3A_551 = arith.andi %ge3A_547, %lt3A_550 : vector<16xi1>
      %sub3A_552 = arith.constant 0 : i32
      %sub3A_553 = vector.broadcast %sub3A_552 : i32 to vector<16xi32>
      %sub3A_554 = arith.subi %get3A_544, %sub3A_553 : vector<16xi32>
      %jit3A_555 = arith.constant 0 : i32
      %jit3A_556 = arith.constant 495 : i32
      %max3A_557 = vector.broadcast %jit3A_555 : i32 to vector<16xi32>
      %max3A_558 = arith.maxsi %max3A_557, %sub3A_554 : vector<16xi32>
      %min3A_559 = vector.broadcast %jit3A_556 : i32 to vector<16xi32>
      %min3A_560 = arith.minsi %min3A_559, %max3A_558 : vector<16xi32>
      %add3A_561 = arith.constant 96 : i32
      %add3A_562 = vector.broadcast %add3A_561 : i32 to vector<16xi32>
      %add3A_563 = arith.addi %add3A_562, %iota3A : vector<16xi32>
      tpu.vector_store_idx %arg5[%min3A_560, %add3A_563], %broadcast_in_dim3A_6 masked %and3A_551 : memref<496x128xf32, #tpu.memory_space<vmem>>[vector<16xi32>, vector<16xi32>], vector<16xf32>, vector<16xi1>
      %mul3A_564 = arith.constant 128 : i32
      %mul3A_565 = arith.muli %sub3A_388, %mul3A_564 : i32
      %add3A_566 = arith.constant 112 : i32
      %add3A_567 = arith.addi %mul3A_565, %add3A_566 : i32
      %get3A_568 = arith.index_cast %add3A_567 : i32 to index
      %get3A_569 = tpu.vector_load %arg4[%get3A_568] {strides = array<i32>} : memref<2560xi32, #tpu.memory_space<vmem>>, vector<16xi32>,
      %ge3A_570 = arith.constant 0 : i32
      %ge3A_571 = vector.broadcast %ge3A_570 : i32 to vector<16xi32>
      %ge3A_572 = arith.cmpi sge, %get3A_569, %ge3A_571 : vector<16xi32>
      %lt3A_573 = arith.constant 496 : i32
      %lt3A_574 = vector.broadcast %lt3A_573 : i32 to vector<16xi32>
      %lt3A_575 = arith.cmpi slt, %get3A_569, %lt3A_574 : vector<16xi32>
      %and3A_576 = arith.andi %ge3A_572, %lt3A_575 : vector<16xi1>
      %sub3A_577 = arith.constant 0 : i32
      %sub3A_578 = vector.broadcast %sub3A_577 : i32 to vector<16xi32>
      %sub3A_579 = arith.subi %get3A_569, %sub3A_578 : vector<16xi32>
      %jit3A_580 = arith.constant 0 : i32
      %jit3A_581 = arith.constant 495 : i32
      %max3A_582 = vector.broadcast %jit3A_580 : i32 to vector<16xi32>
      %max3A_583 = arith.maxsi %max3A_582, %sub3A_579 : vector<16xi32>
      %min3A_584 = vector.broadcast %jit3A_581 : i32 to vector<16xi32>
      %min3A_585 = arith.minsi %min3A_584, %max3A_583 : vector<16xi32>
      %add3A_586 = arith.constant 112 : i32
      %add3A_587 = vector.broadcast %add3A_586 : i32 to vector<16xi32>
      %add3A_588 = arith.addi %add3A_587, %iota3A : vector<16xi32>
      tpu.vector_store_idx %arg5[%min3A_585, %add3A_588], %broadcast_in_dim3A_6 masked %and3A_576 : memref<496x128xf32, #tpu.memory_space<vmem>>[vector<16xi32>, vector<16xi32>], vector<16xf32>, vector<16xi1>
      %mul3A_589 = arith.constant 128 : i32
      %mul3A_590 = arith.muli %scan3A_377, %mul3A_589 : i32
      %add3A_591 = arith.constant 0 : i32
      %add3A_592 = arith.addi %mul3A_590, %add3A_591 : i32
      %get3A_593 = arith.index_cast %add3A_592 : i32 to index
      %get3A_594 = tpu.vector_load %arg4[%get3A_593] {strides = array<i32>} : memref<2560xi32, #tpu.memory_space<vmem>>, vector<16xi32>,
      %ge3A_595 = arith.constant 0 : i32
      %ge3A_596 = vector.broadcast %ge3A_595 : i32 to vector<16xi32>
      %ge3A_597 = arith.cmpi sge, %get3A_594, %ge3A_596 : vector<16xi32>
      %lt3A_598 = arith.constant 496 : i32
      %lt3A_599 = vector.broadcast %lt3A_598 : i32 to vector<16xi32>
      %lt3A_600 = arith.cmpi slt, %get3A_594, %lt3A_599 : vector<16xi32>
      %and3A_601 = arith.andi %ge3A_597, %lt3A_600 : vector<16xi1>
      %sub3A_602 = arith.constant 0 : i32
      %sub3A_603 = vector.broadcast %sub3A_602 : i32 to vector<16xi32>
      %sub3A_604 = arith.subi %get3A_594, %sub3A_603 : vector<16xi32>
      %jit3A_605 = arith.constant 0 : i32
      %jit3A_606 = arith.constant 495 : i32
      %max3A_607 = vector.broadcast %jit3A_605 : i32 to vector<16xi32>
      %max3A_608 = arith.maxsi %max3A_607, %sub3A_604 : vector<16xi32>
      %min3A_609 = vector.broadcast %jit3A_606 : i32 to vector<16xi32>
      %min3A_610 = arith.minsi %min3A_609, %max3A_608 : vector<16xi32>
      %add3A_611 = arith.constant 0 : i32
      %add3A_612 = vector.broadcast %add3A_611 : i32 to vector<16xi32>
      %add3A_613 = arith.addi %add3A_612, %iota3A : vector<16xi32>
      tpu.vector_store_idx %arg5[%min3A_610, %add3A_613], %broadcast_in_dim3A_4 masked %and3A_601 : memref<496x128xf32, #tpu.memory_space<vmem>>[vector<16xi32>, vector<16xi32>], vector<16xf32>, vector<16xi1>
      %mul3A_614 = arith.constant 128 : i32
      %mul3A_615 = arith.muli %scan3A_377, %mul3A_614 : i32
      %add3A_616 = arith.constant 16 : i32
      %add3A_617 = arith.addi %mul3A_615, %add3A_616 : i32
      %get3A_618 = arith.index_cast %add3A_617 : i32 to index
      %get3A_619 = tpu.vector_load %arg4[%get3A_618] {strides = array<i32>} : memref<2560xi32, #tpu.memory_space<vmem>>, vector<16xi32>,
      %ge3A_620 = arith.constant 0 : i32
      %ge3A_621 = vector.broadcast %ge3A_620 : i32 to vector<16xi32>
      %ge3A_622 = arith.cmpi sge, %get3A_619, %ge3A_621 : vector<16xi32>
      %lt3A_623 = arith.constant 496 : i32
      %lt3A_624 = vector.broadcast %lt3A_623 : i32 to vector<16xi32>
      %lt3A_625 = arith.cmpi slt, %get3A_619, %lt3A_624 : vector<16xi32>
      %and3A_626 = arith.andi %ge3A_622, %lt3A_625 : vector<16xi1>
      %sub3A_627 = arith.constant 0 : i32
      %sub3A_628 = vector.broadcast %sub3A_627 : i32 to vector<16xi32>
      %sub3A_629 = arith.subi %get3A_619, %sub3A_628 : vector<16xi32>
      %jit3A_630 = arith.constant 0 : i32
      %jit3A_631 = arith.constant 495 : i32
      %max3A_632 = vector.broadcast %jit3A_630 : i32 to vector<16xi32>
      %max3A_633 = arith.maxsi %max3A_632, %sub3A_629 : vector<16xi32>
      %min3A_634 = vector.broadcast %jit3A_631 : i32 to vector<16xi32>
      %min3A_635 = arith.minsi %min3A_634, %max3A_633 : vector<16xi32>
      %add3A_636 = arith.constant 16 : i32
      %add3A_637 = vector.broadcast %add3A_636 : i32 to vector<16xi32>
      %add3A_638 = arith.addi %add3A_637, %iota3A : vector<16xi32>
      tpu.vector_store_idx %arg5[%min3A_635, %add3A_638], %broadcast_in_dim3A_4 masked %and3A_626 : memref<496x128xf32, #tpu.memory_space<vmem>>[vector<16xi32>, vector<16xi32>], vector<16xf32>, vector<16xi1>
      %mul3A_639 = arith.constant 128 : i32
      %mul3A_640 = arith.muli %scan3A_377, %mul3A_639 : i32
      %add3A_641 = arith.constant 32 : i32
      %add3A_642 = arith.addi %mul3A_640, %add3A_641 : i32
      %get3A_643 = arith.index_cast %add3A_642 : i32 to index
      %get3A_644 = tpu.vector_load %arg4[%get3A_643] {strides = array<i32>} : memref<2560xi32, #tpu.memory_space<vmem>>, vector<16xi32>,
      %ge3A_645 = arith.constant 0 : i32
      %ge3A_646 = vector.broadcast %ge3A_645 : i32 to vector<16xi32>
      %ge3A_647 = arith.cmpi sge, %get3A_644, %ge3A_646 : vector<16xi32>
      %lt3A_648 = arith.constant 496 : i32
      %lt3A_649 = vector.broadcast %lt3A_648 : i32 to vector<16xi32>
      %lt3A_650 = arith.cmpi slt, %get3A_644, %lt3A_649 : vector<16xi32>
      %and3A_651 = arith.andi %ge3A_647, %lt3A_650 : vector<16xi1>
      %sub3A_652 = arith.constant 0 : i32
      %sub3A_653 = vector.broadcast %sub3A_652 : i32 to vector<16xi32>
      %sub3A_654 = arith.subi %get3A_644, %sub3A_653 : vector<16xi32>
      %jit3A_655 = arith.constant 0 : i32
      %jit3A_656 = arith.constant 495 : i32
      %max3A_657 = vector.broadcast %jit3A_655 : i32 to vector<16xi32>
      %max3A_658 = arith.maxsi %max3A_657, %sub3A_654 : vector<16xi32>
      %min3A_659 = vector.broadcast %jit3A_656 : i32 to vector<16xi32>
      %min3A_660 = arith.minsi %min3A_659, %max3A_658 : vector<16xi32>
      %add3A_661 = arith.constant 32 : i32
      %add3A_662 = vector.broadcast %add3A_661 : i32 to vector<16xi32>
      %add3A_663 = arith.addi %add3A_662, %iota3A : vector<16xi32>
      tpu.vector_store_idx %arg5[%min3A_660, %add3A_663], %broadcast_in_dim3A_4 masked %and3A_651 : memref<496x128xf32, #tpu.memory_space<vmem>>[vector<16xi32>, vector<16xi32>], vector<16xf32>, vector<16xi1>
      %mul3A_664 = arith.constant 128 : i32
      %mul3A_665 = arith.muli %scan3A_377, %mul3A_664 : i32
      %add3A_666 = arith.constant 48 : i32
      %add3A_667 = arith.addi %mul3A_665, %add3A_666 : i32
      %get3A_668 = arith.index_cast %add3A_667 : i32 to index
      %get3A_669 = tpu.vector_load %arg4[%get3A_668] {strides = array<i32>} : memref<2560xi32, #tpu.memory_space<vmem>>, vector<16xi32>,
      %ge3A_670 = arith.constant 0 : i32
      %ge3A_671 = vector.broadcast %ge3A_670 : i32 to vector<16xi32>
      %ge3A_672 = arith.cmpi sge, %get3A_669, %ge3A_671 : vector<16xi32>
      %lt3A_673 = arith.constant 496 : i32
      %lt3A_674 = vector.broadcast %lt3A_673 : i32 to vector<16xi32>
      %lt3A_675 = arith.cmpi slt, %get3A_669, %lt3A_674 : vector<16xi32>
      %and3A_676 = arith.andi %ge3A_672, %lt3A_675 : vector<16xi1>
      %sub3A_677 = arith.constant 0 : i32
      %sub3A_678 = vector.broadcast %sub3A_677 : i32 to vector<16xi32>
      %sub3A_679 = arith.subi %get3A_669, %sub3A_678 : vector<16xi32>
      %jit3A_680 = arith.constant 0 : i32
      %jit3A_681 = arith.constant 495 : i32
      %max3A_682 = vector.broadcast %jit3A_680 : i32 to vector<16xi32>
      %max3A_683 = arith.maxsi %max3A_682, %sub3A_679 : vector<16xi32>
      %min3A_684 = vector.broadcast %jit3A_681 : i32 to vector<16xi32>
      %min3A_685 = arith.minsi %min3A_684, %max3A_683 : vector<16xi32>
      %add3A_686 = arith.constant 48 : i32
      %add3A_687 = vector.broadcast %add3A_686 : i32 to vector<16xi32>
      %add3A_688 = arith.addi %add3A_687, %iota3A : vector<16xi32>
      tpu.vector_store_idx %arg5[%min3A_685, %add3A_688], %broadcast_in_dim3A_4 masked %and3A_676 : memref<496x128xf32, #tpu.memory_space<vmem>>[vector<16xi32>, vector<16xi32>], vector<16xf32>, vector<16xi1>
      %mul3A_689 = arith.constant 128 : i32
      %mul3A_690 = arith.muli %scan3A_377, %mul3A_689 : i32
      %add3A_691 = arith.constant 64 : i32
      %add3A_692 = arith.addi %mul3A_690, %add3A_691 : i32
      %get3A_693 = arith.index_cast %add3A_692 : i32 to index
      %get3A_694 = tpu.vector_load %arg4[%get3A_693] {strides = array<i32>} : memref<2560xi32, #tpu.memory_space<vmem>>, vector<16xi32>,
      %ge3A_695 = arith.constant 0 : i32
      %ge3A_696 = vector.broadcast %ge3A_695 : i32 to vector<16xi32>
      %ge3A_697 = arith.cmpi sge, %get3A_694, %ge3A_696 : vector<16xi32>
      %lt3A_698 = arith.constant 496 : i32
      %lt3A_699 = vector.broadcast %lt3A_698 : i32 to vector<16xi32>
      %lt3A_700 = arith.cmpi slt, %get3A_694, %lt3A_699 : vector<16xi32>
      %and3A_701 = arith.andi %ge3A_697, %lt3A_700 : vector<16xi1>
      %sub3A_702 = arith.constant 0 : i32
      %sub3A_703 = vector.broadcast %sub3A_702 : i32 to vector<16xi32>
      %sub3A_704 = arith.subi %get3A_694, %sub3A_703 : vector<16xi32>
      %jit3A_705 = arith.constant 0 : i32
      %jit3A_706 = arith.constant 495 : i32
      %max3A_707 = vector.broadcast %jit3A_705 : i32 to vector<16xi32>
      %max3A_708 = arith.maxsi %max3A_707, %sub3A_704 : vector<16xi32>
      %min3A_709 = vector.broadcast %jit3A_706 : i32 to vector<16xi32>
      %min3A_710 = arith.minsi %min3A_709, %max3A_708 : vector<16xi32>
      %add3A_711 = arith.constant 64 : i32
      %add3A_712 = vector.broadcast %add3A_711 : i32 to vector<16xi32>
      %add3A_713 = arith.addi %add3A_712, %iota3A : vector<16xi32>
      tpu.vector_store_idx %arg5[%min3A_710, %add3A_713], %broadcast_in_dim3A_4 masked %and3A_701 : memref<496x128xf32, #tpu.memory_space<vmem>>[vector<16xi32>, vector<16xi32>], vector<16xf32>, vector<16xi1>
      %mul3A_714 = arith.constant 128 : i32
      %mul3A_715 = arith.muli %scan3A_377, %mul3A_714 : i32
      %add3A_716 = arith.constant 80 : i32
      %add3A_717 = arith.addi %mul3A_715, %add3A_716 : i32
      %get3A_718 = arith.index_cast %add3A_717 : i32 to index
      %get3A_719 = tpu.vector_load %arg4[%get3A_718] {strides = array<i32>} : memref<2560xi32, #tpu.memory_space<vmem>>, vector<16xi32>,
      %ge3A_720 = arith.constant 0 : i32
      %ge3A_721 = vector.broadcast %ge3A_720 : i32 to vector<16xi32>
      %ge3A_722 = arith.cmpi sge, %get3A_719, %ge3A_721 : vector<16xi32>
      %lt3A_723 = arith.constant 496 : i32
      %lt3A_724 = vector.broadcast %lt3A_723 : i32 to vector<16xi32>
      %lt3A_725 = arith.cmpi slt, %get3A_719, %lt3A_724 : vector<16xi32>
      %and3A_726 = arith.andi %ge3A_722, %lt3A_725 : vector<16xi1>
      %sub3A_727 = arith.constant 0 : i32
      %sub3A_728 = vector.broadcast %sub3A_727 : i32 to vector<16xi32>
      %sub3A_729 = arith.subi %get3A_719, %sub3A_728 : vector<16xi32>
      %jit3A_730 = arith.constant 0 : i32
      %jit3A_731 = arith.constant 495 : i32
      %max3A_732 = vector.broadcast %jit3A_730 : i32 to vector<16xi32>
      %max3A_733 = arith.maxsi %max3A_732, %sub3A_729 : vector<16xi32>
      %min3A_734 = vector.broadcast %jit3A_731 : i32 to vector<16xi32>
      %min3A_735 = arith.minsi %min3A_734, %max3A_733 : vector<16xi32>
      %add3A_736 = arith.constant 80 : i32
      %add3A_737 = vector.broadcast %add3A_736 : i32 to vector<16xi32>
      %add3A_738 = arith.addi %add3A_737, %iota3A : vector<16xi32>
      tpu.vector_store_idx %arg5[%min3A_735, %add3A_738], %broadcast_in_dim3A_4 masked %and3A_726 : memref<496x128xf32, #tpu.memory_space<vmem>>[vector<16xi32>, vector<16xi32>], vector<16xf32>, vector<16xi1>
      %mul3A_739 = arith.constant 128 : i32
      %mul3A_740 = arith.muli %scan3A_377, %mul3A_739 : i32
      %add3A_741 = arith.constant 96 : i32
      %add3A_742 = arith.addi %mul3A_740, %add3A_741 : i32
      %get3A_743 = arith.index_cast %add3A_742 : i32 to index
      %get3A_744 = tpu.vector_load %arg4[%get3A_743] {strides = array<i32>} : memref<2560xi32, #tpu.memory_space<vmem>>, vector<16xi32>,
      %ge3A_745 = arith.constant 0 : i32
      %ge3A_746 = vector.broadcast %ge3A_745 : i32 to vector<16xi32>
      %ge3A_747 = arith.cmpi sge, %get3A_744, %ge3A_746 : vector<16xi32>
      %lt3A_748 = arith.constant 496 : i32
      %lt3A_749 = vector.broadcast %lt3A_748 : i32 to vector<16xi32>
      %lt3A_750 = arith.cmpi slt, %get3A_744, %lt3A_749 : vector<16xi32>
      %and3A_751 = arith.andi %ge3A_747, %lt3A_750 : vector<16xi1>
      %sub3A_752 = arith.constant 0 : i32
      %sub3A_753 = vector.broadcast %sub3A_752 : i32 to vector<16xi32>
      %sub3A_754 = arith.subi %get3A_744, %sub3A_753 : vector<16xi32>
      %jit3A_755 = arith.constant 0 : i32
      %jit3A_756 = arith.constant 495 : i32
      %max3A_757 = vector.broadcast %jit3A_755 : i32 to vector<16xi32>
      %max3A_758 = arith.maxsi %max3A_757, %sub3A_754 : vector<16xi32>
      %min3A_759 = vector.broadcast %jit3A_756 : i32 to vector<16xi32>
      %min3A_760 = arith.minsi %min3A_759, %max3A_758 : vector<16xi32>
      %add3A_761 = arith.constant 96 : i32
      %add3A_762 = vector.broadcast %add3A_761 : i32 to vector<16xi32>
      %add3A_763 = arith.addi %add3A_762, %iota3A : vector<16xi32>
      tpu.vector_store_idx %arg5[%min3A_760, %add3A_763], %broadcast_in_dim3A_4 masked %and3A_751 : memref<496x128xf32, #tpu.memory_space<vmem>>[vector<16xi32>, vector<16xi32>], vector<16xf32>, vector<16xi1>
      %mul3A_764 = arith.constant 128 : i32
      %mul3A_765 = arith.muli %scan3A_377, %mul3A_764 : i32
      %add3A_766 = arith.constant 112 : i32
      %add3A_767 = arith.addi %mul3A_765, %add3A_766 : i32
      %get3A_768 = arith.index_cast %add3A_767 : i32 to index
      %get3A_769 = tpu.vector_load %arg4[%get3A_768] {strides = array<i32>} : memref<2560xi32, #tpu.memory_space<vmem>>, vector<16xi32>,
      %ge3A_770 = arith.constant 0 : i32
      %ge3A_771 = vector.broadcast %ge3A_770 : i32 to vector<16xi32>
      %ge3A_772 = arith.cmpi sge, %get3A_769, %ge3A_771 : vector<16xi32>
      %lt3A_773 = arith.constant 496 : i32
      %lt3A_774 = vector.broadcast %lt3A_773 : i32 to vector<16xi32>
      %lt3A_775 = arith.cmpi slt, %get3A_769, %lt3A_774 : vector<16xi32>
      %and3A_776 = arith.andi %ge3A_772, %lt3A_775 : vector<16xi1>
      %sub3A_777 = arith.constant 0 : i32
      %sub3A_778 = vector.broadcast %sub3A_777 : i32 to vector<16xi32>
      %sub3A_779 = arith.subi %get3A_769, %sub3A_778 : vector<16xi32>
      %jit3A_780 = arith.constant 0 : i32
      %jit3A_781 = arith.constant 495 : i32
      %max3A_782 = vector.broadcast %jit3A_780 : i32 to vector<16xi32>
      %max3A_783 = arith.maxsi %max3A_782, %sub3A_779 : vector<16xi32>
      %min3A_784 = vector.broadcast %jit3A_781 : i32 to vector<16xi32>
      %min3A_785 = arith.minsi %min3A_784, %max3A_783 : vector<16xi32>
      %add3A_786 = arith.constant 112 : i32
      %add3A_787 = vector.broadcast %add3A_786 : i32 to vector<16xi32>
      %add3A_788 = arith.addi %add3A_787, %iota3A : vector<16xi32>
      tpu.vector_store_idx %arg5[%min3A_785, %add3A_788], %broadcast_in_dim3A_4 masked %and3A_776 : memref<496x128xf32, #tpu.memory_space<vmem>>[vector<16xi32>, vector<16xi32>], vector<16xf32>, vector<16xi1>
      %mul3A_789 = arith.constant 128 : i32
      %mul3A_790 = arith.muli %scan3A_377, %mul3A_789 : i32
      %add3A_791 = arith.addi %mul3A_2, %mul3A_790 : i32
      %dma_start3A_792 = arith.constant 0 : i32
      %dma_start3A_793 = tpu.memref_slice %arg3[%dma_start3A_792, %add3A_791] : memref<1000x81920xf32, #tpu.memory_space<hbm>> -> memref<496x128xf32, #tpu.memory_space<hbm>>
      %dma_start3A_794 = arith.constant 0 : i32
      %dma_start3A_795 = tpu.memref_slice %arg3[%dma_start3A_794, %add3A_791] : memref<1000x81920xf32, #tpu.memory_space<hbm>> -> memref<496x128xf32, #tpu.memory_space<hbm>>
      tpu.enqueue_dma source(%arg5 : memref<496x128xf32, #tpu.memory_space<vmem>>) target(%dma_start3A_795 : memref<496x128xf32, #tpu.memory_space<hbm>>) target_semaphore(%arg7 : memref<!tpu.dma_semaphore, #tpu.memory_space<semaphore_mem>>)
      %sub3A_796 = arith.constant 1 : i32
      %sub3A_797 = arith.subi %scan3A_377, %sub3A_796 : i32
      %mul3A_798 = arith.constant 128 : i32
      %mul3A_799 = arith.muli %sub3A_797, %mul3A_798 : i32
      %add3A_800 = arith.addi %mul3A_2, %mul3A_799 : i32
      %dma_wait3A_801 = arith.constant 496 : i32
      %dma_wait3A_802 = tpu.memref_slice %arg3[%dma_wait3A_801, %add3A_800] : memref<1000x81920xf32, #tpu.memory_space<hbm>> -> memref<504x128xf32, #tpu.memory_space<hbm>>
      %dma_wait3A_803 = arith.constant 496 : i32
      %dma_wait3A_804 = tpu.memref_slice %arg3[%dma_wait3A_803, %add3A_800] : memref<1000x81920xf32, #tpu.memory_space<hbm>> -> memref<504x128xf32, #tpu.memory_space<hbm>>
      tpu.wait_dma2 semaphore(%arg8 : memref<!tpu.dma_semaphore, #tpu.memory_space<semaphore_mem>>) src(%arg6 : memref<504x128xf32, #tpu.memory_space<vmem>>) dst(%dma_wait3A_804 : memref<504x128xf32, #tpu.memory_space<hbm>>)
      %sub3A_805 = arith.constant 1 : i32
      %sub3A_806 = arith.subi %scan3A_377, %sub3A_805 : i32
      %mul3A_807 = arith.constant 128 : i32
      %mul3A_808 = arith.muli %sub3A_806, %mul3A_807 : i32
      %add3A_809 = arith.constant 0 : i32
      %add3A_810 = arith.addi %mul3A_808, %add3A_809 : i32
      %get3A_811 = arith.index_cast %add3A_810 : i32 to index
      %get3A_812 = tpu.vector_load %arg4[%get3A_811] {strides = array<i32>} : memref<2560xi32, #tpu.memory_space<vmem>>, vector<16xi32>,
      %ge3A_813 = arith.constant 496 : i32
      %ge3A_814 = vector.broadcast %ge3A_813 : i32 to vector<16xi32>
      %ge3A_815 = arith.cmpi sge, %get3A_812, %ge3A_814 : vector<16xi32>
      %lt3A_816 = arith.constant 1000 : i32
      %lt3A_817 = vector.broadcast %lt3A_816 : i32 to vector<16xi32>
      %lt3A_818 = arith.cmpi slt, %get3A_812, %lt3A_817 : vector<16xi32>
      %and3A_819 = arith.andi %ge3A_815, %lt3A_818 : vector<16xi1>
      %sub3A_820 = arith.constant 496 : i32
      %sub3A_821 = vector.broadcast %sub3A_820 : i32 to vector<16xi32>
      %sub3A_822 = arith.subi %get3A_812, %sub3A_821 : vector<16xi32>
      %jit3A_823 = arith.constant 0 : i32
      %jit3A_824 = arith.constant 503 : i32
      %max3A_825 = vector.broadcast %jit3A_823 : i32 to vector<16xi32>
      %max3A_826 = arith.maxsi %max3A_825, %sub3A_822 : vector<16xi32>
      %min3A_827 = vector.broadcast %jit3A_824 : i32 to vector<16xi32>
      %min3A_828 = arith.minsi %min3A_827, %max3A_826 : vector<16xi32>
      %add3A_829 = arith.constant 0 : i32
      %add3A_830 = vector.broadcast %add3A_829 : i32 to vector<16xi32>
      %add3A_831 = arith.addi %add3A_830, %iota3A : vector<16xi32>
      tpu.vector_store_idx %arg6[%min3A_828, %add3A_831], %broadcast_in_dim3A_6 masked %and3A_819 : memref<504x128xf32, #tpu.memory_space<vmem>>[vector<16xi32>, vector<16xi32>], vector<16xf32>, vector<16xi1>
      %mul3A_832 = arith.constant 128 : i32
      %mul3A_833 = arith.muli %sub3A_806, %mul3A_832 : i32
      %add3A_834 = arith.constant 16 : i32
      %add3A_835 = arith.addi %mul3A_833, %add3A_834 : i32
      %get3A_836 = arith.index_cast %add3A_835 : i32 to index
      %get3A_837 = tpu.vector_load %arg4[%get3A_836] {strides = array<i32>} : memref<2560xi32, #tpu.memory_space<vmem>>, vector<16xi32>,
      %ge3A_838 = arith.constant 496 : i32
      %ge3A_839 = vector.broadcast %ge3A_838 : i32 to vector<16xi32>
      %ge3A_840 = arith.cmpi sge, %get3A_837, %ge3A_839 : vector<16xi32>
      %lt3A_841 = arith.constant 1000 : i32
      %lt3A_842 = vector.broadcast %lt3A_841 : i32 to vector<16xi32>
      %lt3A_843 = arith.cmpi slt, %get3A_837, %lt3A_842 : vector<16xi32>
      %and3A_844 = arith.andi %ge3A_840, %lt3A_843 : vector<16xi1>
      %sub3A_845 = arith.constant 496 : i32
      %sub3A_846 = vector.broadcast %sub3A_845 : i32 to vector<16xi32>
      %sub3A_847 = arith.subi %get3A_837, %sub3A_846 : vector<16xi32>
      %jit3A_848 = arith.constant 0 : i32
      %jit3A_849 = arith.constant 503 : i32
      %max3A_850 = vector.broadcast %jit3A_848 : i32 to vector<16xi32>
      %max3A_851 = arith.maxsi %max3A_850, %sub3A_847 : vector<16xi32>
      %min3A_852 = vector.broadcast %jit3A_849 : i32 to vector<16xi32>
      %min3A_853 = arith.minsi %min3A_852, %max3A_851 : vector<16xi32>
      %add3A_854 = arith.constant 16 : i32
      %add3A_855 = vector.broadcast %add3A_854 : i32 to vector<16xi32>
      %add3A_856 = arith.addi %add3A_855, %iota3A : vector<16xi32>
      tpu.vector_store_idx %arg6[%min3A_853, %add3A_856], %broadcast_in_dim3A_6 masked %and3A_844 : memref<504x128xf32, #tpu.memory_space<vmem>>[vector<16xi32>, vector<16xi32>], vector<16xf32>, vector<16xi1>
      %mul3A_857 = arith.constant 128 : i32
      %mul3A_858 = arith.muli %sub3A_806, %mul3A_857 : i32
      %add3A_859 = arith.constant 32 : i32
      %add3A_860 = arith.addi %mul3A_858, %add3A_859 : i32
      %get3A_861 = arith.index_cast %add3A_860 : i32 to index
      %get3A_862 = tpu.vector_load %arg4[%get3A_861] {strides = array<i32>} : memref<2560xi32, #tpu.memory_space<vmem>>, vector<16xi32>,
      %ge3A_863 = arith.constant 496 : i32
      %ge3A_864 = vector.broadcast %ge3A_863 : i32 to vector<16xi32>
      %ge3A_865 = arith.cmpi sge, %get3A_862, %ge3A_864 : vector<16xi32>
      %lt3A_866 = arith.constant 1000 : i32
      %lt3A_867 = vector.broadcast %lt3A_866 : i32 to vector<16xi32>
      %lt3A_868 = arith.cmpi slt, %get3A_862, %lt3A_867 : vector<16xi32>
      %and3A_869 = arith.andi %ge3A_865, %lt3A_868 : vector<16xi1>
      %sub3A_870 = arith.constant 496 : i32
      %sub3A_871 = vector.broadcast %sub3A_870 : i32 to vector<16xi32>
      %sub3A_872 = arith.subi %get3A_862, %sub3A_871 : vector<16xi32>
      %jit3A_873 = arith.constant 0 : i32
      %jit3A_874 = arith.constant 503 : i32
      %max3A_875 = vector.broadcast %jit3A_873 : i32 to vector<16xi32>
      %max3A_876 = arith.maxsi %max3A_875, %sub3A_872 : vector<16xi32>
      %min3A_877 = vector.broadcast %jit3A_874 : i32 to vector<16xi32>
      %min3A_878 = arith.minsi %min3A_877, %max3A_876 : vector<16xi32>
      %add3A_879 = arith.constant 32 : i32
      %add3A_880 = vector.broadcast %add3A_879 : i32 to vector<16xi32>
      %add3A_881 = arith.addi %add3A_880, %iota3A : vector<16xi32>
      tpu.vector_store_idx %arg6[%min3A_878, %add3A_881], %broadcast_in_dim3A_6 masked %and3A_869 : memref<504x128xf32, #tpu.memory_space<vmem>>[vector<16xi32>, vector<16xi32>], vector<16xf32>, vector<16xi1>
      %mul3A_882 = arith.constant 128 : i32
      %mul3A_883 = arith.muli %sub3A_806, %mul3A_882 : i32
      %add3A_884 = arith.constant 48 : i32
      %add3A_885 = arith.addi %mul3A_883, %add3A_884 : i32
      %get3A_886 = arith.index_cast %add3A_885 : i32 to index
      %get3A_887 = tpu.vector_load %arg4[%get3A_886] {strides = array<i32>} : memref<2560xi32, #tpu.memory_space<vmem>>, vector<16xi32>,
      %ge3A_888 = arith.constant 496 : i32
      %ge3A_889 = vector.broadcast %ge3A_888 : i32 to vector<16xi32>
      %ge3A_890 = arith.cmpi sge, %get3A_887, %ge3A_889 : vector<16xi32>
      %lt3A_891 = arith.constant 1000 : i32
      %lt3A_892 = vector.broadcast %lt3A_891 : i32 to vector<16xi32>
      %lt3A_893 = arith.cmpi slt, %get3A_887, %lt3A_892 : vector<16xi32>
      %and3A_894 = arith.andi %ge3A_890, %lt3A_893 : vector<16xi1>
      %sub3A_895 = arith.constant 496 : i32
      %sub3A_896 = vector.broadcast %sub3A_895 : i32 to vector<16xi32>
      %sub3A_897 = arith.subi %get3A_887, %sub3A_896 : vector<16xi32>
      %jit3A_898 = arith.constant 0 : i32
      %jit3A_899 = arith.constant 503 : i32
      %max3A_900 = vector.broadcast %jit3A_898 : i32 to vector<16xi32>
      %max3A_901 = arith.maxsi %max3A_900, %sub3A_897 : vector<16xi32>
      %min3A_902 = vector.broadcast %jit3A_899 : i32 to vector<16xi32>
      %min3A_903 = arith.minsi %min3A_902, %max3A_901 : vector<16xi32>
      %add3A_904 = arith.constant 48 : i32
      %add3A_905 = vector.broadcast %add3A_904 : i32 to vector<16xi32>
      %add3A_906 = arith.addi %add3A_905, %iota3A : vector<16xi32>
      tpu.vector_store_idx %arg6[%min3A_903, %add3A_906], %broadcast_in_dim3A_6 masked %and3A_894 : memref<504x128xf32, #tpu.memory_space<vmem>>[vector<16xi32>, vector<16xi32>], vector<16xf32>, vector<16xi1>
      %mul3A_907 = arith.constant 128 : i32
      %mul3A_908 = arith.muli %sub3A_806, %mul3A_907 : i32
      %add3A_909 = arith.constant 64 : i32
      %add3A_910 = arith.addi %mul3A_908, %add3A_909 : i32
      %get3A_911 = arith.index_cast %add3A_910 : i32 to index
      %get3A_912 = tpu.vector_load %arg4[%get3A_911] {strides = array<i32>} : memref<2560xi32, #tpu.memory_space<vmem>>, vector<16xi32>,
      %ge3A_913 = arith.constant 496 : i32
      %ge3A_914 = vector.broadcast %ge3A_913 : i32 to vector<16xi32>
      %ge3A_915 = arith.cmpi sge, %get3A_912, %ge3A_914 : vector<16xi32>
      %lt3A_916 = arith.constant 1000 : i32
      %lt3A_917 = vector.broadcast %lt3A_916 : i32 to vector<16xi32>
      %lt3A_918 = arith.cmpi slt, %get3A_912, %lt3A_917 : vector<16xi32>
      %and3A_919 = arith.andi %ge3A_915, %lt3A_918 : vector<16xi1>
      %sub3A_920 = arith.constant 496 : i32
      %sub3A_921 = vector.broadcast %sub3A_920 : i32 to vector<16xi32>
      %sub3A_922 = arith.subi %get3A_912, %sub3A_921 : vector<16xi32>
      %jit3A_923 = arith.constant 0 : i32
      %jit3A_924 = arith.constant 503 : i32
      %max3A_925 = vector.broadcast %jit3A_923 : i32 to vector<16xi32>
      %max3A_926 = arith.maxsi %max3A_925, %sub3A_922 : vector<16xi32>
      %min3A_927 = vector.broadcast %jit3A_924 : i32 to vector<16xi32>
      %min3A_928 = arith.minsi %min3A_927, %max3A_926 : vector<16xi32>
      %add3A_929 = arith.constant 64 : i32
      %add3A_930 = vector.broadcast %add3A_929 : i32 to vector<16xi32>
      %add3A_931 = arith.addi %add3A_930, %iota3A : vector<16xi32>
      tpu.vector_store_idx %arg6[%min3A_928, %add3A_931], %broadcast_in_dim3A_6 masked %and3A_919 : memref<504x128xf32, #tpu.memory_space<vmem>>[vector<16xi32>, vector<16xi32>], vector<16xf32>, vector<16xi1>
      %mul3A_932 = arith.constant 128 : i32
      %mul3A_933 = arith.muli %sub3A_806, %mul3A_932 : i32
      %add3A_934 = arith.constant 80 : i32
      %add3A_935 = arith.addi %mul3A_933, %add3A_934 : i32
      %get3A_936 = arith.index_cast %add3A_935 : i32 to index
      %get3A_937 = tpu.vector_load %arg4[%get3A_936] {strides = array<i32>} : memref<2560xi32, #tpu.memory_space<vmem>>, vector<16xi32>,
      %ge3A_938 = arith.constant 496 : i32
      %ge3A_939 = vector.broadcast %ge3A_938 : i32 to vector<16xi32>
      %ge3A_940 = arith.cmpi sge, %get3A_937, %ge3A_939 : vector<16xi32>
      %lt3A_941 = arith.constant 1000 : i32
      %lt3A_942 = vector.broadcast %lt3A_941 : i32 to vector<16xi32>
      %lt3A_943 = arith.cmpi slt, %get3A_937, %lt3A_942 : vector<16xi32>
      %and3A_944 = arith.andi %ge3A_940, %lt3A_943 : vector<16xi1>
      %sub3A_945 = arith.constant 496 : i32
      %sub3A_946 = vector.broadcast %sub3A_945 : i32 to vector<16xi32>
      %sub3A_947 = arith.subi %get3A_937, %sub3A_946 : vector<16xi32>
      %jit3A_948 = arith.constant 0 : i32
      %jit3A_949 = arith.constant 503 : i32
      %max3A_950 = vector.broadcast %jit3A_948 : i32 to vector<16xi32>
      %max3A_951 = arith.maxsi %max3A_950, %sub3A_947 : vector<16xi32>
      %min3A_952 = vector.broadcast %jit3A_949 : i32 to vector<16xi32>
      %min3A_953 = arith.minsi %min3A_952, %max3A_951 : vector<16xi32>
      %add3A_954 = arith.constant 80 : i32
      %add3A_955 = vector.broadcast %add3A_954 : i32 to vector<16xi32>
      %add3A_956 = arith.addi %add3A_955, %iota3A : vector<16xi32>
      tpu.vector_store_idx %arg6[%min3A_953, %add3A_956], %broadcast_in_dim3A_6 masked %and3A_944 : memref<504x128xf32, #tpu.memory_space<vmem>>[vector<16xi32>, vector<16xi32>], vector<16xf32>, vector<16xi1>
      %mul3A_957 = arith.constant 128 : i32
      %mul3A_958 = arith.muli %sub3A_806, %mul3A_957 : i32
      %add3A_959 = arith.constant 96 : i32
      %add3A_960 = arith.addi %mul3A_958, %add3A_959 : i32
      %get3A_961 = arith.index_cast %add3A_960 : i32 to index
      %get3A_962 = tpu.vector_load %arg4[%get3A_961] {strides = array<i32>} : memref<2560xi32, #tpu.memory_space<vmem>>, vector<16xi32>,
      %ge3A_963 = arith.constant 496 : i32
      %ge3A_964 = vector.broadcast %ge3A_963 : i32 to vector<16xi32>
      %ge3A_965 = arith.cmpi sge, %get3A_962, %ge3A_964 : vector<16xi32>
      %lt3A_966 = arith.constant 1000 : i32
      %lt3A_967 = vector.broadcast %lt3A_966 : i32 to vector<16xi32>
      %lt3A_968 = arith.cmpi slt, %get3A_962, %lt3A_967 : vector<16xi32>
      %and3A_969 = arith.andi %ge3A_965, %lt3A_968 : vector<16xi1>
      %sub3A_970 = arith.constant 496 : i32
      %sub3A_971 = vector.broadcast %sub3A_970 : i32 to vector<16xi32>
      %sub3A_972 = arith.subi %get3A_962, %sub3A_971 : vector<16xi32>
      %jit3A_973 = arith.constant 0 : i32
      %jit3A_974 = arith.constant 503 : i32
      %max3A_975 = vector.broadcast %jit3A_973 : i32 to vector<16xi32>
      %max3A_976 = arith.maxsi %max3A_975, %sub3A_972 : vector<16xi32>
      %min3A_977 = vector.broadcast %jit3A_974 : i32 to vector<16xi32>
      %min3A_978 = arith.minsi %min3A_977, %max3A_976 : vector<16xi32>
      %add3A_979 = arith.constant 96 : i32
      %add3A_980 = vector.broadcast %add3A_979 : i32 to vector<16xi32>
      %add3A_981 = arith.addi %add3A_980, %iota3A : vector<16xi32>
      tpu.vector_store_idx %arg6[%min3A_978, %add3A_981], %broadcast_in_dim3A_6 masked %and3A_969 : memref<504x128xf32, #tpu.memory_space<vmem>>[vector<16xi32>, vector<16xi32>], vector<16xf32>, vector<16xi1>
      %mul3A_982 = arith.constant 128 : i32
      %mul3A_983 = arith.muli %sub3A_806, %mul3A_982 : i32
      %add3A_984 = arith.constant 112 : i32
      %add3A_985 = arith.addi %mul3A_983, %add3A_984 : i32
      %get3A_986 = arith.index_cast %add3A_985 : i32 to index
      %get3A_987 = tpu.vector_load %arg4[%get3A_986] {strides = array<i32>} : memref<2560xi32, #tpu.memory_space<vmem>>, vector<16xi32>,
      %ge3A_988 = arith.constant 496 : i32
      %ge3A_989 = vector.broadcast %ge3A_988 : i32 to vector<16xi32>
      %ge3A_990 = arith.cmpi sge, %get3A_987, %ge3A_989 : vector<16xi32>
      %lt3A_991 = arith.constant 1000 : i32
      %lt3A_992 = vector.broadcast %lt3A_991 : i32 to vector<16xi32>
      %lt3A_993 = arith.cmpi slt, %get3A_987, %lt3A_992 : vector<16xi32>
      %and3A_994 = arith.andi %ge3A_990, %lt3A_993 : vector<16xi1>
      %sub3A_995 = arith.constant 496 : i32
      %sub3A_996 = vector.broadcast %sub3A_995 : i32 to vector<16xi32>
      %sub3A_997 = arith.subi %get3A_987, %sub3A_996 : vector<16xi32>
      %jit3A_998 = arith.constant 0 : i32
      %jit3A_999 = arith.constant 503 : i32
      %max3A_1000 = vector.broadcast %jit3A_998 : i32 to vector<16xi32>
      %max3A_1001 = arith.maxsi %max3A_1000, %sub3A_997 : vector<16xi32>
      %min3A_1002 = vector.broadcast %jit3A_999 : i32 to vector<16xi32>
      %min3A_1003 = arith.minsi %min3A_1002, %max3A_1001 : vector<16xi32>
      %add3A_1004 = arith.constant 112 : i32
      %add3A_1005 = vector.broadcast %add3A_1004 : i32 to vector<16xi32>
      %add3A_1006 = arith.addi %add3A_1005, %iota3A : vector<16xi32>
      tpu.vector_store_idx %arg6[%min3A_1003, %add3A_1006], %broadcast_in_dim3A_6 masked %and3A_994 : memref<504x128xf32, #tpu.memory_space<vmem>>[vector<16xi32>, vector<16xi32>], vector<16xf32>, vector<16xi1>
      %mul3A_1007 = arith.constant 128 : i32
      %mul3A_1008 = arith.muli %scan3A_377, %mul3A_1007 : i32
      %add3A_1009 = arith.constant 0 : i32
      %add3A_1010 = arith.addi %mul3A_1008, %add3A_1009 : i32
      %get3A_1011 = arith.index_cast %add3A_1010 : i32 to index
      %get3A_1012 = tpu.vector_load %arg4[%get3A_1011] {strides = array<i32>} : memref<2560xi32, #tpu.memory_space<vmem>>, vector<16xi32>,
      %ge3A_1013 = arith.constant 496 : i32
      %ge3A_1014 = vector.broadcast %ge3A_1013 : i32 to vector<16xi32>
      %ge3A_1015 = arith.cmpi sge, %get3A_1012, %ge3A_1014 : vector<16xi32>
      %lt3A_1016 = arith.constant 1000 : i32
      %lt3A_1017 = vector.broadcast %lt3A_1016 : i32 to vector<16xi32>
      %lt3A_1018 = arith.cmpi slt, %get3A_1012, %lt3A_1017 : vector<16xi32>
      %and3A_1019 = arith.andi %ge3A_1015, %lt3A_1018 : vector<16xi1>
      %sub3A_1020 = arith.constant 496 : i32
      %sub3A_1021 = vector.broadcast %sub3A_1020 : i32 to vector<16xi32>
      %sub3A_1022 = arith.subi %get3A_1012, %sub3A_1021 : vector<16xi32>
      %jit3A_1023 = arith.constant 0 : i32
      %jit3A_1024 = arith.constant 503 : i32
      %max3A_1025 = vector.broadcast %jit3A_1023 : i32 to vector<16xi32>
      %max3A_1026 = arith.maxsi %max3A_1025, %sub3A_1022 : vector<16xi32>
      %min3A_1027 = vector.broadcast %jit3A_1024 : i32 to vector<16xi32>
      %min3A_1028 = arith.minsi %min3A_1027, %max3A_1026 : vector<16xi32>
      %add3A_1029 = arith.constant 0 : i32
      %add3A_1030 = vector.broadcast %add3A_1029 : i32 to vector<16xi32>
      %add3A_1031 = arith.addi %add3A_1030, %iota3A : vector<16xi32>
      tpu.vector_store_idx %arg6[%min3A_1028, %add3A_1031], %broadcast_in_dim3A_4 masked %and3A_1019 : memref<504x128xf32, #tpu.memory_space<vmem>>[vector<16xi32>, vector<16xi32>], vector<16xf32>, vector<16xi1>
      %mul3A_1032 = arith.constant 128 : i32
      %mul3A_1033 = arith.muli %scan3A_377, %mul3A_1032 : i32
      %add3A_1034 = arith.constant 16 : i32
      %add3A_1035 = arith.addi %mul3A_1033, %add3A_1034 : i32
      %get3A_1036 = arith.index_cast %add3A_1035 : i32 to index
      %get3A_1037 = tpu.vector_load %arg4[%get3A_1036] {strides = array<i32>} : memref<2560xi32, #tpu.memory_space<vmem>>, vector<16xi32>,
      %ge3A_1038 = arith.constant 496 : i32
      %ge3A_1039 = vector.broadcast %ge3A_1038 : i32 to vector<16xi32>
      %ge3A_1040 = arith.cmpi sge, %get3A_1037, %ge3A_1039 : vector<16xi32>
      %lt3A_1041 = arith.constant 1000 : i32
      %lt3A_1042 = vector.broadcast %lt3A_1041 : i32 to vector<16xi32>
      %lt3A_1043 = arith.cmpi slt, %get3A_1037, %lt3A_1042 : vector<16xi32>
      %and3A_1044 = arith.andi %ge3A_1040, %lt3A_1043 : vector<16xi1>
      %sub3A_1045 = arith.constant 496 : i32
      %sub3A_1046 = vector.broadcast %sub3A_1045 : i32 to vector<16xi32>
      %sub3A_1047 = arith.subi %get3A_1037, %sub3A_1046 : vector<16xi32>
      %jit3A_1048 = arith.constant 0 : i32
      %jit3A_1049 = arith.constant 503 : i32
      %max3A_1050 = vector.broadcast %jit3A_1048 : i32 to vector<16xi32>
      %max3A_1051 = arith.maxsi %max3A_1050, %sub3A_1047 : vector<16xi32>
      %min3A_1052 = vector.broadcast %jit3A_1049 : i32 to vector<16xi32>
      %min3A_1053 = arith.minsi %min3A_1052, %max3A_1051 : vector<16xi32>
      %add3A_1054 = arith.constant 16 : i32
      %add3A_1055 = vector.broadcast %add3A_1054 : i32 to vector<16xi32>
      %add3A_1056 = arith.addi %add3A_1055, %iota3A : vector<16xi32>
      tpu.vector_store_idx %arg6[%min3A_1053, %add3A_1056], %broadcast_in_dim3A_4 masked %and3A_1044 : memref<504x128xf32, #tpu.memory_space<vmem>>[vector<16xi32>, vector<16xi32>], vector<16xf32>, vector<16xi1>
      %mul3A_1057 = arith.constant 128 : i32
      %mul3A_1058 = arith.muli %scan3A_377, %mul3A_1057 : i32
      %add3A_1059 = arith.constant 32 : i32
      %add3A_1060 = arith.addi %mul3A_1058, %add3A_1059 : i32
      %get3A_1061 = arith.index_cast %add3A_1060 : i32 to index
      %get3A_1062 = tpu.vector_load %arg4[%get3A_1061] {strides = array<i32>} : memref<2560xi32, #tpu.memory_space<vmem>>, vector<16xi32>,
      %ge3A_1063 = arith.constant 496 : i32
      %ge3A_1064 = vector.broadcast %ge3A_1063 : i32 to vector<16xi32>
      %ge3A_1065 = arith.cmpi sge, %get3A_1062, %ge3A_1064 : vector<16xi32>
      %lt3A_1066 = arith.constant 1000 : i32
      %lt3A_1067 = vector.broadcast %lt3A_1066 : i32 to vector<16xi32>
      %lt3A_1068 = arith.cmpi slt, %get3A_1062, %lt3A_1067 : vector<16xi32>
      %and3A_1069 = arith.andi %ge3A_1065, %lt3A_1068 : vector<16xi1>
      %sub3A_1070 = arith.constant 496 : i32
      %sub3A_1071 = vector.broadcast %sub3A_1070 : i32 to vector<16xi32>
      %sub3A_1072 = arith.subi %get3A_1062, %sub3A_1071 : vector<16xi32>
      %jit3A_1073 = arith.constant 0 : i32
      %jit3A_1074 = arith.constant 503 : i32
      %max3A_1075 = vector.broadcast %jit3A_1073 : i32 to vector<16xi32>
      %max3A_1076 = arith.maxsi %max3A_1075, %sub3A_1072 : vector<16xi32>
      %min3A_1077 = vector.broadcast %jit3A_1074 : i32 to vector<16xi32>
      %min3A_1078 = arith.minsi %min3A_1077, %max3A_1076 : vector<16xi32>
      %add3A_1079 = arith.constant 32 : i32
      %add3A_1080 = vector.broadcast %add3A_1079 : i32 to vector<16xi32>
      %add3A_1081 = arith.addi %add3A_1080, %iota3A : vector<16xi32>
      tpu.vector_store_idx %arg6[%min3A_1078, %add3A_1081], %broadcast_in_dim3A_4 masked %and3A_1069 : memref<504x128xf32, #tpu.memory_space<vmem>>[vector<16xi32>, vector<16xi32>], vector<16xf32>, vector<16xi1>
      %mul3A_1082 = arith.constant 128 : i32
      %mul3A_1083 = arith.muli %scan3A_377, %mul3A_1082 : i32
      %add3A_1084 = arith.constant 48 : i32
      %add3A_1085 = arith.addi %mul3A_1083, %add3A_1084 : i32
      %get3A_1086 = arith.index_cast %add3A_1085 : i32 to index
      %get3A_1087 = tpu.vector_load %arg4[%get3A_1086] {strides = array<i32>} : memref<2560xi32, #tpu.memory_space<vmem>>, vector<16xi32>,
      %ge3A_1088 = arith.constant 496 : i32
      %ge3A_1089 = vector.broadcast %ge3A_1088 : i32 to vector<16xi32>
      %ge3A_1090 = arith.cmpi sge, %get3A_1087, %ge3A_1089 : vector<16xi32>
      %lt3A_1091 = arith.constant 1000 : i32
      %lt3A_1092 = vector.broadcast %lt3A_1091 : i32 to vector<16xi32>
      %lt3A_1093 = arith.cmpi slt, %get3A_1087, %lt3A_1092 : vector<16xi32>
      %and3A_1094 = arith.andi %ge3A_1090, %lt3A_1093 : vector<16xi1>
      %sub3A_1095 = arith.constant 496 : i32
      %sub3A_1096 = vector.broadcast %sub3A_1095 : i32 to vector<16xi32>
      %sub3A_1097 = arith.subi %get3A_1087, %sub3A_1096 : vector<16xi32>
      %jit3A_1098 = arith.constant 0 : i32
      %jit3A_1099 = arith.constant 503 : i32
      %max3A_1100 = vector.broadcast %jit3A_1098 : i32 to vector<16xi32>
      %max3A_1101 = arith.maxsi %max3A_1100, %sub3A_1097 : vector<16xi32>
      %min3A_1102 = vector.broadcast %jit3A_1099 : i32 to vector<16xi32>
      %min3A_1103 = arith.minsi %min3A_1102, %max3A_1101 : vector<16xi32>
      %add3A_1104 = arith.constant 48 : i32
      %add3A_1105 = vector.broadcast %add3A_1104 : i32 to vector<16xi32>
      %add3A_1106 = arith.addi %add3A_1105, %iota3A : vector<16xi32>
      tpu.vector_store_idx %arg6[%min3A_1103, %add3A_1106], %broadcast_in_dim3A_4 masked %and3A_1094 : memref<504x128xf32, #tpu.memory_space<vmem>>[vector<16xi32>, vector<16xi32>], vector<16xf32>, vector<16xi1>
      %mul3A_1107 = arith.constant 128 : i32
      %mul3A_1108 = arith.muli %scan3A_377, %mul3A_1107 : i32
      %add3A_1109 = arith.constant 64 : i32
      %add3A_1110 = arith.addi %mul3A_1108, %add3A_1109 : i32
      %get3A_1111 = arith.index_cast %add3A_1110 : i32 to index
      %get3A_1112 = tpu.vector_load %arg4[%get3A_1111] {strides = array<i32>} : memref<2560xi32, #tpu.memory_space<vmem>>, vector<16xi32>,
      %ge3A_1113 = arith.constant 496 : i32
      %ge3A_1114 = vector.broadcast %ge3A_1113 : i32 to vector<16xi32>
      %ge3A_1115 = arith.cmpi sge, %get3A_1112, %ge3A_1114 : vector<16xi32>
      %lt3A_1116 = arith.constant 1000 : i32
      %lt3A_1117 = vector.broadcast %lt3A_1116 : i32 to vector<16xi32>
      %lt3A_1118 = arith.cmpi slt, %get3A_1112, %lt3A_1117 : vector<16xi32>
      %and3A_1119 = arith.andi %ge3A_1115, %lt3A_1118 : vector<16xi1>
      %sub3A_1120 = arith.constant 496 : i32
      %sub3A_1121 = vector.broadcast %sub3A_1120 : i32 to vector<16xi32>
      %sub3A_1122 = arith.subi %get3A_1112, %sub3A_1121 : vector<16xi32>
      %jit3A_1123 = arith.constant 0 : i32
      %jit3A_1124 = arith.constant 503 : i32
      %max3A_1125 = vector.broadcast %jit3A_1123 : i32 to vector<16xi32>
      %max3A_1126 = arith.maxsi %max3A_1125, %sub3A_1122 : vector<16xi32>
      %min3A_1127 = vector.broadcast %jit3A_1124 : i32 to vector<16xi32>
      %min3A_1128 = arith.minsi %min3A_1127, %max3A_1126 : vector<16xi32>
      %add3A_1129 = arith.constant 64 : i32
      %add3A_1130 = vector.broadcast %add3A_1129 : i32 to vector<16xi32>
      %add3A_1131 = arith.addi %add3A_1130, %iota3A : vector<16xi32>
      tpu.vector_store_idx %arg6[%min3A_1128, %add3A_1131], %broadcast_in_dim3A_4 masked %and3A_1119 : memref<504x128xf32, #tpu.memory_space<vmem>>[vector<16xi32>, vector<16xi32>], vector<16xf32>, vector<16xi1>
      %mul3A_1132 = arith.constant 128 : i32
      %mul3A_1133 = arith.muli %scan3A_377, %mul3A_1132 : i32
      %add3A_1134 = arith.constant 80 : i32
      %add3A_1135 = arith.addi %mul3A_1133, %add3A_1134 : i32
      %get3A_1136 = arith.index_cast %add3A_1135 : i32 to index
      %get3A_1137 = tpu.vector_load %arg4[%get3A_1136] {strides = array<i32>} : memref<2560xi32, #tpu.memory_space<vmem>>, vector<16xi32>,
      %ge3A_1138 = arith.constant 496 : i32
      %ge3A_1139 = vector.broadcast %ge3A_1138 : i32 to vector<16xi32>
      %ge3A_1140 = arith.cmpi sge, %get3A_1137, %ge3A_1139 : vector<16xi32>
      %lt3A_1141 = arith.constant 1000 : i32
      %lt3A_1142 = vector.broadcast %lt3A_1141 : i32 to vector<16xi32>
      %lt3A_1143 = arith.cmpi slt, %get3A_1137, %lt3A_1142 : vector<16xi32>
      %and3A_1144 = arith.andi %ge3A_1140, %lt3A_1143 : vector<16xi1>
      %sub3A_1145 = arith.constant 496 : i32
      %sub3A_1146 = vector.broadcast %sub3A_1145 : i32 to vector<16xi32>
      %sub3A_1147 = arith.subi %get3A_1137, %sub3A_1146 : vector<16xi32>
      %jit3A_1148 = arith.constant 0 : i32
      %jit3A_1149 = arith.constant 503 : i32
      %max3A_1150 = vector.broadcast %jit3A_1148 : i32 to vector<16xi32>
      %max3A_1151 = arith.maxsi %max3A_1150, %sub3A_1147 : vector<16xi32>
      %min3A_1152 = vector.broadcast %jit3A_1149 : i32 to vector<16xi32>
      %min3A_1153 = arith.minsi %min3A_1152, %max3A_1151 : vector<16xi32>
      %add3A_1154 = arith.constant 80 : i32
      %add3A_1155 = vector.broadcast %add3A_1154 : i32 to vector<16xi32>
      %add3A_1156 = arith.addi %add3A_1155, %iota3A : vector<16xi32>
      tpu.vector_store_idx %arg6[%min3A_1153, %add3A_1156], %broadcast_in_dim3A_4 masked %and3A_1144 : memref<504x128xf32, #tpu.memory_space<vmem>>[vector<16xi32>, vector<16xi32>], vector<16xf32>, vector<16xi1>
      %mul3A_1157 = arith.constant 128 : i32
      %mul3A_1158 = arith.muli %scan3A_377, %mul3A_1157 : i32
      %add3A_1159 = arith.constant 96 : i32
      %add3A_1160 = arith.addi %mul3A_1158, %add3A_1159 : i32
      %get3A_1161 = arith.index_cast %add3A_1160 : i32 to index
      %get3A_1162 = tpu.vector_load %arg4[%get3A_1161] {strides = array<i32>} : memref<2560xi32, #tpu.memory_space<vmem>>, vector<16xi32>,
      %ge3A_1163 = arith.constant 496 : i32
      %ge3A_1164 = vector.broadcast %ge3A_1163 : i32 to vector<16xi32>
      %ge3A_1165 = arith.cmpi sge, %get3A_1162, %ge3A_1164 : vector<16xi32>
      %lt3A_1166 = arith.constant 1000 : i32
      %lt3A_1167 = vector.broadcast %lt3A_1166 : i32 to vector<16xi32>
      %lt3A_1168 = arith.cmpi slt, %get3A_1162, %lt3A_1167 : vector<16xi32>
      %and3A_1169 = arith.andi %ge3A_1165, %lt3A_1168 : vector<16xi1>
      %sub3A_1170 = arith.constant 496 : i32
      %sub3A_1171 = vector.broadcast %sub3A_1170 : i32 to vector<16xi32>
      %sub3A_1172 = arith.subi %get3A_1162, %sub3A_1171 : vector<16xi32>
      %jit3A_1173 = arith.constant 0 : i32
      %jit3A_1174 = arith.constant 503 : i32
      %max3A_1175 = vector.broadcast %jit3A_1173 : i32 to vector<16xi32>
      %max3A_1176 = arith.maxsi %max3A_1175, %sub3A_1172 : vector<16xi32>
      %min3A_1177 = vector.broadcast %jit3A_1174 : i32 to vector<16xi32>
      %min3A_1178 = arith.minsi %min3A_1177, %max3A_1176 : vector<16xi32>
      %add3A_1179 = arith.constant 96 : i32
      %add3A_1180 = vector.broadcast %add3A_1179 : i32 to vector<16xi32>
      %add3A_1181 = arith.addi %add3A_1180, %iota3A : vector<16xi32>
      tpu.vector_store_idx %arg6[%min3A_1178, %add3A_1181], %broadcast_in_dim3A_4 masked %and3A_1169 : memref<504x128xf32, #tpu.memory_space<vmem>>[vector<16xi32>, vector<16xi32>], vector<16xf32>, vector<16xi1>
      %mul3A_1182 = arith.constant 128 : i32
      %mul3A_1183 = arith.muli %scan3A_377, %mul3A_1182 : i32
      %add3A_1184 = arith.constant 112 : i32
      %add3A_1185 = arith.addi %mul3A_1183, %add3A_1184 : i32
      %get3A_1186 = arith.index_cast %add3A_1185 : i32 to index
      %get3A_1187 = tpu.vector_load %arg4[%get3A_1186] {strides = array<i32>} : memref<2560xi32, #tpu.memory_space<vmem>>, vector<16xi32>,
      %ge3A_1188 = arith.constant 496 : i32
      %ge3A_1189 = vector.broadcast %ge3A_1188 : i32 to vector<16xi32>
      %ge3A_1190 = arith.cmpi sge, %get3A_1187, %ge3A_1189 : vector<16xi32>
      %lt3A_1191 = arith.constant 1000 : i32
      %lt3A_1192 = vector.broadcast %lt3A_1191 : i32 to vector<16xi32>
      %lt3A_1193 = arith.cmpi slt, %get3A_1187, %lt3A_1192 : vector<16xi32>
      %and3A_1194 = arith.andi %ge3A_1190, %lt3A_1193 : vector<16xi1>
      %sub3A_1195 = arith.constant 496 : i32
      %sub3A_1196 = vector.broadcast %sub3A_1195 : i32 to vector<16xi32>
      %sub3A_1197 = arith.subi %get3A_1187, %sub3A_1196 : vector<16xi32>
      %jit3A_1198 = arith.constant 0 : i32
      %jit3A_1199 = arith.constant 503 : i32
      %max3A_1200 = vector.broadcast %jit3A_1198 : i32 to vector<16xi32>
      %max3A_1201 = arith.maxsi %max3A_1200, %sub3A_1197 : vector<16xi32>
      %min3A_1202 = vector.broadcast %jit3A_1199 : i32 to vector<16xi32>
      %min3A_1203 = arith.minsi %min3A_1202, %max3A_1201 : vector<16xi32>
      %add3A_1204 = arith.constant 112 : i32
      %add3A_1205 = vector.broadcast %add3A_1204 : i32 to vector<16xi32>
      %add3A_1206 = arith.addi %add3A_1205, %iota3A : vector<16xi32>
      tpu.vector_store_idx %arg6[%min3A_1203, %add3A_1206], %broadcast_in_dim3A_4 masked %and3A_1194 : memref<504x128xf32, #tpu.memory_space<vmem>>[vector<16xi32>, vector<16xi32>], vector<16xf32>, vector<16xi1>
      %mul3A_1207 = arith.constant 128 : i32
      %mul3A_1208 = arith.muli %scan3A_377, %mul3A_1207 : i32
      %add3A_1209 = arith.addi %mul3A_2, %mul3A_1208 : i32
      %dma_start3A_1210 = arith.constant 496 : i32
      %dma_start3A_1211 = tpu.memref_slice %arg3[%dma_start3A_1210, %add3A_1209] : memref<1000x81920xf32, #tpu.memory_space<hbm>> -> memref<504x128xf32, #tpu.memory_space<hbm>>
      %dma_start3A_1212 = arith.constant 496 : i32
      %dma_start3A_1213 = tpu.memref_slice %arg3[%dma_start3A_1212, %add3A_1209] : memref<1000x81920xf32, #tpu.memory_space<hbm>> -> memref<504x128xf32, #tpu.memory_space<hbm>>
      tpu.enqueue_dma source(%arg6 : memref<504x128xf32, #tpu.memory_space<vmem>>) target(%dma_start3A_1213 : memref<504x128xf32, #tpu.memory_space<hbm>>) target_semaphore(%arg8 : memref<!tpu.dma_semaphore, #tpu.memory_space<semaphore_mem>>)
    }
    %scan3A_364 = arith.constant 19 : i32
    %add3A_365 = arith.constant 2432 : i32
    %add3A_366 = arith.addi %mul3A_2, %add3A_365 : i32
    %dma_wait3A_367 = arith.constant 0 : i32
    %dma_wait3A_368 = tpu.memref_slice %arg3[%dma_wait3A_367, %add3A_366] : memref<1000x81920xf32, #tpu.memory_space<hbm>> -> memref<496x128xf32, #tpu.memory_space<hbm>>
    %dma_wait3A_369 = arith.constant 0 : i32
    %dma_wait3A_370 = tpu.memref_slice %arg3[%dma_wait3A_369, %add3A_366] : memref<1000x81920xf32, #tpu.memory_space<hbm>> -> memref<496x128xf32, #tpu.memory_space<hbm>>
    tpu.wait_dma2 semaphore(%arg7 : memref<!tpu.dma_semaphore, #tpu.memory_space<semaphore_mem>>) src(%arg5 : memref<496x128xf32, #tpu.memory_space<vmem>>) dst(%dma_wait3A_370 : memref<496x128xf32, #tpu.memory_space<hbm>>)
    %add3A_371 = arith.constant 2432 : i32
    %add3A_372 = arith.addi %mul3A_2, %add3A_371 : i32
    %dma_wait3A_373 = arith.constant 496 : i32
    %dma_wait3A_374 = tpu.memref_slice %arg3[%dma_wait3A_373, %add3A_372] : memref<1000x81920xf32, #tpu.memory_space<hbm>> -> memref<504x128xf32, #tpu.memory_space<hbm>>
    %dma_wait3A_375 = arith.constant 496 : i32
    %dma_wait3A_376 = tpu.memref_slice %arg3[%dma_wait3A_375, %add3A_372] : memref<1000x81920xf32, #tpu.memory_space<hbm>> -> memref<504x128xf32, #tpu.memory_space<hbm>>
    tpu.wait_dma2 semaphore(%arg8 : memref<!tpu.dma_semaphore, #tpu.memory_space<semaphore_mem>>) src(%arg6 : memref<504x128xf32, #tpu.memory_space<vmem>>) dst(%dma_wait3A_376 : memref<504x128xf32, #tpu.memory_space<hbm>>)
    return
  }
}

</mosaic_0001>

<sc_bundles>
// kernel: kernel.3.cloned.1.call-start
scs
__scs_entry_jumppad:
0x0: {  	(pc) =	sbr.rel $0x88, $3  }
0x1: {  	(tag) =	ssettag $0x0;
	lr =	simm.s32 $0x1  }
0x2: {  	[smem:$0x3FA0] =	sst lr;
	_ =	strace $0xD0000000  }
0x3: {  	_ = 	snop  }
0x4: {  	_ = 	snop  }
0x5: {  	_ = 	snop  }
0x6: {  	_ = 	snop  }
0x7: {  	_ = 	snop  }
__scs_overlays_trampoline_lowered:
0x8: {  	[smem:$0x3FAF] =	sst s0  }
0x9: {  	[smem:$0x3FB0] =	sst s1  }
0xa: {  	[smem:$0x3FB1] =	sst s2  }
0xb: {  	[smem:$0x3FB2] =	sst s3  }
0xc: {  	[smem:$0x3FB3] =	sst s4  }
0xd: {  	[smem:$0x3FB4] =	sst s5  }
0xe: {  	[smem:$0x3FB5] =	sst s6  }
0xf: {  	[smem:$0x3FB6] =	sst s7  }
0x10: {  	[smem:$0x3FB7] =	sst s8  }
0x11: {  	[smem:$0x3FB8] =	sst s9;
	s0 =	simm.s32 @!p0 $0x0  }
0x12: {  	s1 =	sld [smem:$0x3F9E];
	s0 =	simm.s32 @p0 $0x1  }
0x13: {  	[smem:$0x3FB9] =	sst s0;
	s0 =	simm.s32 @!p1 $0x0  }
0x14: {  	s2 =	sld [smem:$0x3F9D];
	s0 =	simm.s32 @p1 $0x1  }
0x15: {  	[smem:$0x3FBA] =	sst s0;
	s0 =	simm.s32 @!p2 $0x0  }
0x16: {  	s3 =	sld [smem:$0x3FDB];
	s0 =	simm.s32 @p2 $0x1  }
0x17: {  	s4 =	simm.s32 $0x1BF5;
	[smem:$0x3FBC] =	sst s0  }
0x18: {  	s0 =	sld [smem:$0x3F9F];
	_ =	swait.ge [sflag:s4], $0x0  }
0x19: {  	s7 =	sld [smem:$0x3FA0]  }
0x1a: {  	s8 =	sadd.s32 $0xFFFFE003, lr  }
0x1b: {  	s9 =	sadd.s32 $0xFFFFFEF7, lr;
	s5 =	simm.s32 $0xFFFFFFFF;
	p2 =	slt.u32 s8, $0xFFFFF086  }
0x1c: {  	p1 =	slt.u32 s9, $0xF7A;
	s5 =	simm.s32 @!p2 $0x0  }
0x1d: {  	s5 =	simm.s32 @p1 $0x1;
	p0 =	seq.s32 s7, s2  }
0x1e: {  	s7 =	smul.u32 @!p0 $0xF7A, s2;
	p2 =	seq.s32 @!p0 s5, $0x0  }
0x1f: {  	s9 =	smul.u32 $0xF7A, s1;
	s8 =	simm.s32 @!p0 $0x1BF5;
	p2 =	por !p2, p0  }
0x20: {  	[sflag:s8] =	ssyncset.s32 @!p0 $0xFFFFF086;
	s6 =	sadd.s32 @!p0 s3, s7;
	s7 =	simm.s32 @!p0 $0x108  }
0x21: {  	s3 =	sadd.s32 s3, s9;
	s6 =	sadd.s32 @!p0 $0x88, s6;
	s7 =	simm.s32 @p2 $0x1082  }
0x22: {  	[simem:s7], [sflag:s8] =	dma.local @!p0 [hbm:s6], $0xF7A  }
0x23: {  	s9 =	sor.u32 $0xD0000000, s2;
	s6 =	simm.s32 $0x108;
	_ =	swait.ge @!p0 [sflag:s8], $0x0  }
0x24: {  	s3 =	sadd.s32 $0x88, s3;
	s6 =	simm.s32 @!p1 $0x1082;
	[sflag:s4] =	ssyncset.s32 $0xFFFFF086  }
0x25: {  	[simem:s6], [sflag:s4] =	dma.local [hbm:s3], $0xF7A  }
0x26: {  	[smem:$0x3FA0] =	sst s1;
	(tag) =	ssettag s2;
	_ =	strace s9  }
0x27: {  	s1 =	sld [smem:$0x3FB0]  }
0x28: {  	s2 =	sld [smem:$0x3FB1]  }
0x29: {  	s4 =	sld [smem:$0x3FB3]  }
0x2a: {  	p0 =	seq.s32 s5, $0x0;
	s5 =	sld [smem:$0x3FB4]  }
0x2b: {  	s6 =	sld [smem:$0x3FB5]  }
0x2c: {  	s7 =	sld [smem:$0x3FB6]  }
0x2d: {  	s3 =	simm.s32 $0x108;
	s8 =	sld [smem:$0x3FB7]  }
0x2e: {  	s3 =	simm.s32 @!p0 $0x1082;
	s9 =	sld [smem:$0x3FB8]  }
0x2f: {  	lr =	sadd.s32 s0, s3;
	s0 =	sld [smem:$0x3FAF]  }
0x30: {  	s3 =	sld [smem:$0x3FB2]  }
0x31: {  	[smem:$0x3FBB] =	sst s10  }
0x32: {  	s10 =	sld [smem:$0x3FB9];
	_ =	sdelay $0x3  }
0x33: {  	p0 =	seq.s32 s10, $0x1;
	s10 =	sld [smem:$0x3FBB];
	_ =	sdelay $0x3  }
0x34: {  	[smem:$0x3FBB] =	sst s10  }
0x35: {  	s10 =	sld [smem:$0x3FBA];
	_ =	sdelay $0x3  }
0x36: {  	p1 =	seq.s32 s10, $0x1;
	s10 =	sld [smem:$0x3FBB];
	_ =	sdelay $0x3  }
0x37: {  	[smem:$0x3FBB] =	sst s10  }
0x38: {  	s10 =	sld [smem:$0x3FBC]  }
0x39: {  	_ = 	snop;
	(pc) =	sbr.ind lr, $3  }
0x3a: {  	_ = 	snop  }
0x3b: {  	_ = 	snop  }
0x3c: {  	p2 =	seq.s32 s10, $0x1;
	s10 =	sld [smem:$0x3FBB]  }
0x3d: {  	_ =	shalt  }
0x3e: {  	_ =	shalt  }
0x3f: {  	_ =	shalt  }
0x40: {  	_ =	shalt  }
0x41: {  	_ =	shalt  }
0x42: {  	_ =	shalt  }
0x43: {  	_ =	shalt  }
0x44: {  	_ =	shalt  }
0x45: {  	_ =	shalt  }
0x46: {  	_ =	shalt  }
0x47: {  	_ =	shalt  }
0x48: {  	_ =	shalt  }
0x49: {  	_ =	shalt  }
0x4a: {  	_ =	shalt  }
0x4b: {  	_ =	shalt  }
0x4c: {  	_ =	shalt  }
0x4d: {  	_ =	shalt  }
0x4e: {  	_ =	shalt  }
0x4f: {  	_ =	shalt  }
0x50: {  	_ =	shalt  }
0x51: {  	_ =	shalt  }
0x52: {  	_ =	shalt  }
0x53: {  	_ =	shalt  }
0x54: {  	_ =	shalt  }
0x55: {  	_ =	shalt  }
0x56: {  	_ =	shalt  }
0x57: {  	_ =	shalt  }
0x58: {  	_ =	shalt  }
0x59: {  	_ =	shalt  }
0x5a: {  	_ =	shalt  }
0x5b: {  	_ =	shalt  }
0x5c: {  	_ =	shalt  }
0x5d: {  	_ =	shalt  }
0x5e: {  	_ =	shalt  }
0x5f: {  	_ =	shalt  }
0x60: {  	_ =	shalt  }
0x61: {  	_ =	shalt  }
0x62: {  	_ =	shalt  }
0x63: {  	_ =	shalt  }
0x64: {  	_ =	shalt  }
0x65: {  	_ =	shalt  }
0x66: {  	_ =	shalt  }
0x67: {  	_ =	shalt  }
0x68: {  	_ =	shalt  }
0x69: {  	_ =	shalt  }
0x6a: {  	_ =	shalt  }
0x6b: {  	_ =	shalt  }
0x6c: {  	_ =	shalt  }
0x6d: {  	_ =	shalt  }
0x6e: {  	_ =	shalt  }
0x6f: {  	_ =	shalt  }
0x70: {  	_ =	shalt  }
0x71: {  	_ =	shalt  }
0x72: {  	_ =	shalt  }
0x73: {  	_ =	shalt  }
0x74: {  	_ =	shalt  }
0x75: {  	_ =	shalt  }
0x76: {  	_ =	shalt  }
0x77: {  	_ =	shalt  }
0x78: {  	_ =	shalt  }
0x79: {  	_ =	shalt  }
0x7a: {  	_ =	shalt  }
0x7b: {  	_ =	shalt  }
0x7c: {  	_ =	shalt  }
0x7d: {  	_ =	shalt  }
0x7e: {  	_ =	shalt  }
0x7f: {  	_ =	shalt  }
0x80: {  	_ =	shalt  }
0x81: {  	_ =	shalt  }
0x82: {  	_ =	shalt  }
0x83: {  	_ =	shalt  }
0x84: {  	_ =	shalt  }
0x85: {  	_ =	shalt  }
0x86: {  	_ =	shalt  }
0x87: {  	_ =	shalt  }
.Lfunc_end0:
.L_simem_size_0:
called_computation_lowered:
.L_overlay_start_0:
0x88: {  	s2 =	sld [smem:$0x3FD9]  }
0x89: {  	s3 =	sld [smem:$0x3FFE];
	_ =	sdelay $0x1  }
0x8a: {  	s1 =	srdreg.scid  }
0x8b: {  	s0 =	sand.u32 $0x1, s1  }
0x8c: {  	s17 =	sshll.u32 s0, $0xA;
	s2 =	sadd.s32 s3, s2  }
0x8d: {  	s2 =	sadd.s32 s2, s17  }
0x8e: {  	[smem:$0x3FC7] =	sst s2  }
0x8f: {  	_ = 	snop  }
0x90: {  	s2 =	sld [smem:$0x3FD0];
	(tm) =	ssettm $0x1  }
0x91: {  	s18 =	sld [smem:$0x3FFB];
	_ =	sdelay $0x3  }
0x92: {  	_ =	strace s18  }
0x93: {  	s3 =	sld [smem:$0x3FFC];
	_ =	sdelay $0x3  }
0x94: {  	_ =	strace s3  }
0x95: {  	s3 =	sld [smem:$0x3FFD];
	_ =	sdelay $0x3  }
0x96: {  	_ =	strace s3  }
0x97: {  	_ =	strace $0x8FFFFFFF  }
0x98: {  	s19 =	sld [smem:$0x3FDB];
	_ =	sdelay $0x1  }
0x99: {  	s4 =	simm.s32 $_scs_section_size  }
0x9a: {  	s5 =	simm.s32 $_size__tile_overlayer_lowered;
	s6 =	simm.s32 $_tile_overlayer_lowered  }
0x9b: {  	s22 =	simm.s32 $0x1BFF;
	s21 =	sshll.u32 s6, $0x1;
	s3 =	sadd.s32 s4, s19  }
0x9c: {  	s7 =	simm.s32 $0x0;
	s20 =	sshll.u32 s5, $0x1;
	s5 =	sadd.s32 s21, s3  }
0x9d: {  	[timem:s7], [sflag:s22] =	dma.local [hbm:s5], s20  }
0x9e: {  	_ =	swait.ge [sflag:s22], s20  }
0x9f: {  	s4 =	ssub.s32 $0x0, s20;
	[sflag:s22] =	ssyncset.done $0x0  }
0xa0: {  	[sflag:s22] =	ssyncadd.s32 s4;
	_ =	sdelay $0x1  }
0xa1: {  	s23 =	simm.s32 $0x1B8B  }
0xa2: {  	_ =	swait.ge [sflag:s23], $0x1  }
0xa3: {  	[sflag:s23] =	ssyncset.done $0x0  }
0xa4: {  	s25 =	simm.s32 $0x1B8E;
	s24 =	sld [smem:$0x3FFE];
	[sflag:s23] =	ssyncadd.s32 $0xFFFFFFFF  }
0xa5: {  	s26 =	simm.s32 $execute0_lowered;
	[smem:$0x3FD2] =	sst s25  }
0xa6: {  	s5 =	sshll.u32 s26, $0x1;
	_ =	strace $0x80000046;
	[dreg:$0x1] =	wrdreg $0xFFFFFFFF  }
0xa7: {  	s28 =	simm.s32 $_size_execute0_lowered;
	s3 =	sadd.s32 s3, s5;
	[dreg:$0x0] =	wrdreg $0x0  }
0xa8: {  	s5 =	sshll.u32 s28, $0x1;
	[dreg:$0x2] =	wrdreg s3  }
0xa9: {  	[dreg:$0x3] =	wrdreg s5  }
0xaa: {  	[dreg:$0x4] =	wrdreg $0xC0  }
0xab: {  	_ =	task [dreg:s7], $0x5FFFF  }
0xac: {  	[dreg:$0x1] =	wrdreg $0xFFFFFFFF  }
0xad: {  	[dreg:$0x0] =	wrdreg $0x60  }
0xae: {  	[dreg:$0x2] =	wrdreg s24  }
0xaf: {  	[dreg:$0x3] =	wrdreg s2  }
0xb0: {  	[dreg:$0x4] =	wrdreg $0x9  }
0xb1: {  	_ =	task.clear_ibuf [dreg:s7], $0x5FFFF;
	_ =	strace $0x90000046  }
0xb2: {  	s29 =	simm.s32 $0x9;
	_ =	strace $0x80000048  }
0xb3: {  	_ =	swait.ge [sflag:s29], $0x1  }
0xb4: {  	[sflag:s29] =	ssyncadd.s32 $0xFFFFFFFF  }
0xb5: {  	_ =	strace $0x90000048  }
0xb6: {  	_ =	sfence  }
0xb7: {  	s30 =	sld [smem:$0x0];
	_ =	sdelay $0x2  }
0xb8: {  	s31 =	sshll.u32 s1, $0xD;
	s1 =	sshrl.u32 s1, $0x2  }
0xb9: {  	s3 =	sand.u32 $0x4000, s31;
	s1 =	sadd.s32 s1, s30  }
0xba: {  	s0 =	sor.u32 s3, s0;
	s1 =	sshll.u32 s1, $0x11  }
0xbb: {  	s0 =	sor.u32 s1, s0  }
0xbc: {  	s0 =	sadd.s32 $0x8F2B, s0  }
0xbd: {  	[sflag:s0] =	ssyncadd.remote.s32 $0x1  }
0xbe: {  	_ =	sfence.sel $0xFFFF  }
0xbf: {  	[dreg:$0x0] =	wrdreg $0xFFFFFFFF;
	(pc) =	sbr.abs _section_cstart, $3  }
0xc0: {  	[dreg:$0x1] =	wrdreg $0xFFFFFFFF  }
0xc1: {  	_ =	task.clear_ibuf [dreg:s7], $0x2FFFF;
	_ =	strace $0x9FFFFFFF  }
0xc2: {  	(tm) =	ssettm $0x7FFFFFFF  }
0xc3: {  	_ =	shalt  }
tec
execute0_lowered:
.L_overlay_start_1:
0x0: {  	(tag) =	ssettag $0x1  }
0x1: {  	s1 =	srdreg.scid;
	s3 =	rddreg [dreg:$0x0]  }
0x2: {  	s0 =	stileid.u32;
	s7 =	rddreg [dreg:$0x1];
	s2 =	simm.s32 $0x0  }
0x3: {  	s10 =	simm.s32 $0x400;
	s11 =	simm.s32 $0xA0000;
	s12 =	simm.s32 $0x10200  }
0x4: {  	s13 =	simm.s32 $0x1;
	s5 =	sand.u32 $0x1, s1;
	s29 =	sshll.u32 s0, $0x1  }
0x5: {  	s14 =	simm.s32 $0x2;
	s31 =	smul.u32 $0x1400, s0;
	s4 =	sor.u32 s5, s29  }
0x6: {  	s15 =	simm.s32 $0x0;
	s1 =	rddreg [dreg:$0x2];
	s6 =	smul.u32 $0xA00, s4  }
0x7: {  	[smem:$0x7FF] =	sst s2;
	s8 =	ssub.s32 $0x2, s5;
	s4 =	smul.u32 $0x5000, s4  }
0x8: {  	_ =	strace $0x80000047;
	s9 =	smul.u32 $0xA00, s5;
	s6 =	sshrl.u32 s6, $0x3  }
0x9: {  	v0 =	vlaneseq.u32;
	s30 =	sshrl.u32 s8, $0x1;
	s4 =	sshrl.u32 s4, $0x3;
	s3 =	sadd.s32 s6, s3  }
0xa: {  	v1 =	vimm.f32 $0.0e+00;
	v2 =	vimm.f32 $1.000000000e+00;
	v3 =	vor.u32 $0x10, v0;
	s6 =	ssub.s32 s8, s30;
	s4 =	sadd.s32 s7, s4;
	s7 =	sadd.s32 s31, s7  }
0xb: {  	v4 =	vor.u32 $0x20, v0;
	v5 =	vor.u32 $0x30, v0;
	v6 =	vor.u32 $0x40, v0;
	s8 =	simm.s32 $0x3;
	s3 =	sadd.s32 $0x400, s3;
	s5 =	sadd.s32 $0x4D8000, s4  }
0xc: {  	v7 =	vor.u32 $0x50, v0;
	v8 =	vor.u32 $0x60, v0;
	v9 =	vor.u32 $0x70, v0;
	s6 =	smax.u32 s6, $0x1;
	s7 =	sadd.s32 s9, s7;
	s9 =	simm.s32 $0xA00  }
.LBB2_1:
0xd: {  	[tilespmem:s2], [sflag:$0x3] =	stream.linear.gather [hbm4b:s3+s2], $0xA00, $0x38;
	[tilespmem:$0x1FE00] =	vst v63  }
0xe: {  	s16 =	simm.s32 $0x0;
	s17 =	simm.s32 $0x800  }
.LBB2_2:
0xf: {  	p0 =	sne.s32 s17, $0x3D800;
	[tilespmem:s16+$0xBF0] =	vst v1  }
0x10: {  	[tilespmem:s16+$0xA00] =	vst v1  }
0x11: {  	[tilespmem:s16+$0xA10] =	vst v1  }
0x12: {  	[tilespmem:s16+$0xA20] =	vst v1  }
0x13: {  	[tilespmem:s16+$0xA30] =	vst v1  }
0x14: {  	[tilespmem:s16+$0xA40] =	vst v1  }
0x15: {  	[tilespmem:s16+$0xA50] =	vst v1  }
0x16: {  	[tilespmem:s16+$0xA60] =	vst v1  }
0x17: {  	[tilespmem:s16+$0xA70] =	vst v1  }
0x18: {  	[tilespmem:s16+$0xA80] =	vst v1  }
0x19: {  	[tilespmem:s16+$0xA90] =	vst v1  }
0x1a: {  	[tilespmem:s16+$0xAA0] =	vst v1  }
0x1b: {  	[tilespmem:s16+$0xAB0] =	vst v1  }
0x1c: {  	[tilespmem:s16+$0xAC0] =	vst v1  }
0x1d: {  	[tilespmem:s16+$0xAD0] =	vst v1  }
0x1e: {  	[tilespmem:s16+$0xAE0] =	vst v1  }
0x1f: {  	[tilespmem:s16+$0xAF0] =	vst v1  }
0x20: {  	[tilespmem:s16+$0xB00] =	vst v1  }
0x21: {  	[tilespmem:s16+$0xB10] =	vst v1  }
0x22: {  	[tilespmem:s16+$0xB20] =	vst v1  }
0x23: {  	[tilespmem:s16+$0xB30] =	vst v1  }
0x24: {  	[tilespmem:s16+$0xB40] =	vst v1  }
0x25: {  	[tilespmem:s16+$0xB50] =	vst v1  }
0x26: {  	[tilespmem:s16+$0xB60] =	vst v1  }
0x27: {  	[tilespmem:s16+$0xB70] =	vst v1  }
0x28: {  	[tilespmem:s16+$0xB80] =	vst v1  }
0x29: {  	[tilespmem:s16+$0xB90] =	vst v1  }
.Ltmp0:
0x2a: {  	[tilespmem:s16+$0xBA0] =	vst v1;
	(pc) =	sbr.rel @p0 .LBB2_2-.Ltmp0, $4  }
0x2b: {  	[tilespmem:s16+$0xBB0] =	vst v1  }
0x2c: {  	[tilespmem:s16+$0xBC0] =	vst v1  }
0x2d: {  	[tilespmem:s16+$0xBD0] =	vst v1  }
0x2e: {  	[tilespmem:s16+$0xBE0] =	vst v1;
	s16 =	sshra.s32 s17, $0x2;
	s17 =	sadd.s32 $0x800, s17  }
0x2f: {  	[tilespmem:s16+$0xBF0] =	vst v1  }
0x30: {  	[tilespmem:s16+$0xA00] =	vst v1  }
0x31: {  	[tilespmem:s16+$0xA10] =	vst v1  }
0x32: {  	[tilespmem:s16+$0xA20] =	vst v1  }
0x33: {  	[tilespmem:s16+$0xA30] =	vst v1  }
0x34: {  	[tilespmem:s16+$0xA40] =	vst v1  }
0x35: {  	[tilespmem:s16+$0xA50] =	vst v1  }
0x36: {  	[tilespmem:s16+$0xA60] =	vst v1  }
0x37: {  	[tilespmem:s16+$0xA70] =	vst v1  }
0x38: {  	[tilespmem:s16+$0xA80] =	vst v1  }
0x39: {  	[tilespmem:s16+$0xA90] =	vst v1  }
0x3a: {  	[tilespmem:s16+$0xAA0] =	vst v1  }
0x3b: {  	[tilespmem:s16+$0xAB0] =	vst v1  }
0x3c: {  	[tilespmem:s16+$0xAC0] =	vst v1  }
0x3d: {  	[tilespmem:s16+$0xAD0] =	vst v1  }
0x3e: {  	[tilespmem:s16+$0xAE0] =	vst v1  }
0x3f: {  	[tilespmem:s16+$0xAF0] =	vst v1  }
0x40: {  	[tilespmem:s16+$0xB00] =	vst v1  }
0x41: {  	[tilespmem:s16+$0xB10] =	vst v1  }
0x42: {  	[tilespmem:s16+$0xB20] =	vst v1  }
0x43: {  	[tilespmem:s16+$0xB30] =	vst v1  }
0x44: {  	[tilespmem:s16+$0xB40] =	vst v1  }
0x45: {  	[tilespmem:s16+$0xB50] =	vst v1  }
0x46: {  	[tilespmem:s16+$0xB60] =	vst v1  }
0x47: {  	[tilespmem:s16+$0xB70] =	vst v1  }
0x48: {  	[tilespmem:s16+$0xB80] =	vst v1  }
0x49: {  	[tilespmem:s16+$0xB90] =	vst v1  }
0x4a: {  	[tilespmem:s16+$0xBA0] =	vst v1  }
0x4b: {  	[tilespmem:s16+$0xBB0] =	vst v1  }
0x4c: {  	[tilespmem:s16+$0xBC0] =	vst v1  }
0x4d: {  	[tilespmem:s16+$0xBD0] =	vst v1  }
0x4e: {  	[tilespmem:s16+$0xBE0] =	vst v1  }
0x4f: {  	_ =	swait.ge [sflag:s8], $0xA00  }
0x50: {  	[sflag:s8] =	ssyncset.done $0x0  }
0x51: {  	[sflag:s8] =	ssyncadd.s32 $0xFFFFF600  }
0x52: {  	v10 =	vld [tilespmem:$0x0];
	_ =	sdelay $0x4  }
0x53: {  	vm0 =	vgt.s32 v10, $0x0  }
0x54: {  	v11 =	vnsel vm0, $0x0, v10  }
0x55: {  	v11 =	vmin.u32 v11, $0x1EF  }
0x56: {  	vm13 =	vlt.u32 v10, $0x1F0;
	v10 =	vshll.u32 v11, $0x7  }
0x57: {  	v10 =	vor.u32 v0, v10;
	_ =	sdelay $0x4  }
0x58: {  	[tilespmem:v10+s9+$0x0] =	vst.idx.msk vm13, v2  }
0x59: {  	v10 =	vld [tilespmem:$0x10];
	_ =	sdelay $0x4  }
0x5a: {  	vm14 =	vgt.s32 v10, $0x0  }
0x5b: {  	v11 =	vnsel vm14, $0x0, v10  }
0x5c: {  	v11 =	vmin.u32 v11, $0x1EF  }
0x5d: {  	vm15 =	vlt.u32 v10, $0x1F0;
	v10 =	vshll.u32 v11, $0x7  }
0x5e: {  	v10 =	vor.u32 v3, v10;
	_ =	sdelay $0x4  }
0x5f: {  	[tilespmem:v10+s9+$0x0] =	vst.idx.msk vm15, v2  }
0x60: {  	v10 =	vld [tilespmem:$0x20];
	_ =	sdelay $0x4  }
0x61: {  	vm4 =	vgt.s32 v10, $0x0  }
0x62: {  	v11 =	vnsel vm4, $0x0, v10  }
0x63: {  	v11 =	vmin.u32 v11, $0x1EF  }
0x64: {  	vm5 =	vlt.u32 v10, $0x1F0;
	v10 =	vshll.u32 v11, $0x7  }
0x65: {  	v10 =	vor.u32 v4, v10;
	_ =	sdelay $0x4  }
0x66: {  	[tilespmem:v10+s9+$0x0] =	vst.idx.msk vm5, v2  }
0x67: {  	v10 =	vld [tilespmem:$0x30];
	_ =	sdelay $0x4  }
0x68: {  	vm6 =	vgt.s32 v10, $0x0  }
0x69: {  	v11 =	vnsel vm6, $0x0, v10  }
0x6a: {  	v11 =	vmin.u32 v11, $0x1EF  }
0x6b: {  	vm7 =	vlt.u32 v10, $0x1F0;
	v10 =	vshll.u32 v11, $0x7  }
0x6c: {  	v10 =	vor.u32 v5, v10;
	_ =	sdelay $0x4  }
0x6d: {  	[tilespmem:v10+s9+$0x0] =	vst.idx.msk vm7, v2  }
0x6e: {  	v10 =	vld [tilespmem:$0x40];
	_ =	sdelay $0x4  }
0x6f: {  	vm8 =	vgt.s32 v10, $0x0  }
0x70: {  	v11 =	vnsel vm8, $0x0, v10  }
0x71: {  	v11 =	vmin.u32 v11, $0x1EF  }
0x72: {  	vm9 =	vlt.u32 v10, $0x1F0;
	v10 =	vshll.u32 v11, $0x7  }
0x73: {  	v10 =	vor.u32 v6, v10;
	_ =	sdelay $0x4  }
0x74: {  	[tilespmem:v10+s9+$0x0] =	vst.idx.msk vm9, v2  }
0x75: {  	v10 =	vld [tilespmem:$0x50];
	_ =	sdelay $0x4  }
0x76: {  	vm10 =	vgt.s32 v10, $0x0  }
0x77: {  	v11 =	vnsel vm10, $0x0, v10  }
0x78: {  	v11 =	vmin.u32 v11, $0x1EF  }
0x79: {  	vm11 =	vlt.u32 v10, $0x1F0;
	v10 =	vshll.u32 v11, $0x7  }
0x7a: {  	v10 =	vor.u32 v7, v10;
	_ =	sdelay $0x4  }
0x7b: {  	[tilespmem:v10+s9+$0x0] =	vst.idx.msk vm11, v2  }
0x7c: {  	v10 =	vld [tilespmem:$0x60];
	_ =	sdelay $0x4  }
0x7d: {  	vm12 =	vgt.s32 v10, $0x0  }
0x7e: {  	v11 =	vnsel vm12, $0x0, v10  }
0x7f: {  	v11 =	vmin.u32 v11, $0x1EF  }
0x80: {  	vm13 =	vlt.u32 v10, $0x1F0;
	v10 =	vshll.u32 v11, $0x7  }
0x81: {  	v10 =	vor.u32 v8, v10;
	_ =	sdelay $0x4  }
0x82: {  	[tilespmem:v10+s9+$0x0] =	vst.idx.msk vm13, v2  }
0x83: {  	v10 =	vld [tilespmem:$0x70];
	_ =	sdelay $0x4  }
0x84: {  	vm14 =	vgt.s32 v10, $0x0  }
0x85: {  	v11 =	vnsel vm14, $0x0, v10  }
0x86: {  	v11 =	vmin.u32 v11, $0x1EF  }
0x87: {  	vm15 =	vlt.u32 v10, $0x1F0;
	v10 =	vshll.u32 v11, $0x7  }
0x88: {  	v10 =	vor.u32 v9, v10;
	_ =	sdelay $0x4  }
0x89: {  	s16 =	simm.s32 $0x0;
	s17 =	simm.s32 $0x800;
	[tilespmem:v10+s9+$0x0] =	vst.idx.msk vm15, v2  }
0x8a: {  	[hbm4b:s4+s10] =	stream.strided.scatter [tilespmem:s9], [sflag:$0x1], $0xF800, s11, s10, $0x38;
	[tilespmem:$0x1FE00] =	vst v63  }
.LBB2_4:
0x8b: {  	p0 =	sne.s32 s17, $0x3E800;
	[tilespmem:s16+$0x103F0] =	vst v1  }
0x8c: {  	[tilespmem:s16+$0x10200] =	vst v1  }
0x8d: {  	[tilespmem:s16+$0x10210] =	vst v1  }
0x8e: {  	[tilespmem:s16+$0x10220] =	vst v1  }
0x8f: {  	[tilespmem:s16+$0x10230] =	vst v1  }
0x90: {  	[tilespmem:s16+$0x10240] =	vst v1  }
0x91: {  	[tilespmem:s16+$0x10250] =	vst v1  }
0x92: {  	[tilespmem:s16+$0x10260] =	vst v1  }
0x93: {  	[tilespmem:s16+$0x10270] =	vst v1  }
0x94: {  	[tilespmem:s16+$0x10280] =	vst v1  }
0x95: {  	[tilespmem:s16+$0x10290] =	vst v1  }
0x96: {  	[tilespmem:s16+$0x102A0] =	vst v1  }
0x97: {  	[tilespmem:s16+$0x102B0] =	vst v1  }
0x98: {  	[tilespmem:s16+$0x102C0] =	vst v1  }
0x99: {  	[tilespmem:s16+$0x102D0] =	vst v1  }
0x9a: {  	[tilespmem:s16+$0x102E0] =	vst v1  }
0x9b: {  	[tilespmem:s16+$0x102F0] =	vst v1  }
0x9c: {  	[tilespmem:s16+$0x10300] =	vst v1  }
0x9d: {  	[tilespmem:s16+$0x10310] =	vst v1  }
0x9e: {  	[tilespmem:s16+$0x10320] =	vst v1  }
0x9f: {  	[tilespmem:s16+$0x10330] =	vst v1  }
0xa0: {  	[tilespmem:s16+$0x10340] =	vst v1  }
0xa1: {  	[tilespmem:s16+$0x10350] =	vst v1  }
0xa2: {  	[tilespmem:s16+$0x10360] =	vst v1  }
0xa3: {  	[tilespmem:s16+$0x10370] =	vst v1  }
0xa4: {  	[tilespmem:s16+$0x10380] =	vst v1  }
0xa5: {  	[tilespmem:s16+$0x10390] =	vst v1  }
.Ltmp1:
0xa6: {  	[tilespmem:s16+$0x103A0] =	vst v1;
	(pc) =	sbr.rel @p0 .LBB2_4-.Ltmp1, $4  }
0xa7: {  	[tilespmem:s16+$0x103B0] =	vst v1  }
0xa8: {  	[tilespmem:s16+$0x103C0] =	vst v1  }
0xa9: {  	[tilespmem:s16+$0x103D0] =	vst v1  }
0xaa: {  	[tilespmem:s16+$0x103E0] =	vst v1;
	s16 =	sshra.s32 s17, $0x2;
	s17 =	sadd.s32 $0x800, s17  }
0xab: {  	[tilespmem:s16+$0x103F0] =	vst v1  }
0xac: {  	[tilespmem:s16+$0x10200] =	vst v1  }
0xad: {  	[tilespmem:s16+$0x10210] =	vst v1  }
0xae: {  	[tilespmem:s16+$0x10220] =	vst v1  }
0xaf: {  	[tilespmem:s16+$0x10230] =	vst v1  }
0xb0: {  	[tilespmem:s16+$0x10240] =	vst v1  }
0xb1: {  	[tilespmem:s16+$0x10250] =	vst v1  }
0xb2: {  	[tilespmem:s16+$0x10260] =	vst v1  }
0xb3: {  	[tilespmem:s16+$0x10270] =	vst v1  }
0xb4: {  	[tilespmem:s16+$0x10280] =	vst v1  }
0xb5: {  	[tilespmem:s16+$0x10290] =	vst v1  }
0xb6: {  	[tilespmem:s16+$0x102A0] =	vst v1  }
0xb7: {  	[tilespmem:s16+$0x102B0] =	vst v1  }
0xb8: {  	[tilespmem:s16+$0x102C0] =	vst v1  }
0xb9: {  	[tilespmem:s16+$0x102D0] =	vst v1  }
0xba: {  	[tilespmem:s16+$0x102E0] =	vst v1  }
0xbb: {  	[tilespmem:s16+$0x102F0] =	vst v1  }
0xbc: {  	[tilespmem:s16+$0x10300] =	vst v1  }
0xbd: {  	[tilespmem:s16+$0x10310] =	vst v1  }
0xbe: {  	[tilespmem:s16+$0x10320] =	vst v1  }
0xbf: {  	[tilespmem:s16+$0x10330] =	vst v1  }
0xc0: {  	[tilespmem:s16+$0x10340] =	vst v1  }
0xc1: {  	[tilespmem:s16+$0x10350] =	vst v1  }
0xc2: {  	[tilespmem:s16+$0x10360] =	vst v1  }
0xc3: {  	[tilespmem:s16+$0x10370] =	vst v1  }
0xc4: {  	[tilespmem:s16+$0x10380] =	vst v1  }
0xc5: {  	[tilespmem:s16+$0x10390] =	vst v1  }
0xc6: {  	[tilespmem:s16+$0x103A0] =	vst v1  }
0xc7: {  	[tilespmem:s16+$0x103B0] =	vst v1  }
0xc8: {  	[tilespmem:s16+$0x103C0] =	vst v1  }
0xc9: {  	[tilespmem:s16+$0x103D0] =	vst v1  }
0xca: {  	[tilespmem:s16+$0x103E0] =	vst v1  }
0xcb: {  	v10 =	vld [tilespmem:$0x0];
	_ =	sdelay $0x4  }
0xcc: {  	v10 =	vadd.s32 $0xFFFFFE10, v10  }
0xcd: {  	vm0 =	vgt.s32 v10, $0x0  }
0xce: {  	v11 =	vnsel vm0, $0x0, v10  }
0xcf: {  	v11 =	vmin.u32 v11, $0x1F7  }
0xd0: {  	vm13 =	vlt.u32 v10, $0x1F8;
	v10 =	vshll.u32 v11, $0x7  }
0xd1: {  	v10 =	vor.u32 v0, v10;
	_ =	sdelay $0x4  }
0xd2: {  	[tilespmem:v10+s12+$0x0] =	vst.idx.msk vm13, v2  }
0xd3: {  	v10 =	vld [tilespmem:$0x10];
	_ =	sdelay $0x4  }
0xd4: {  	v10 =	vadd.s32 $0xFFFFFE10, v10  }
0xd5: {  	vm14 =	vgt.s32 v10, $0x0  }
0xd6: {  	v11 =	vnsel vm14, $0x0, v10  }
0xd7: {  	v11 =	vmin.u32 v11, $0x1F7  }
0xd8: {  	vm15 =	vlt.u32 v10, $0x1F8;
	v10 =	vshll.u32 v11, $0x7  }
0xd9: {  	v10 =	vor.u32 v3, v10;
	_ =	sdelay $0x4  }
0xda: {  	[tilespmem:v10+s12+$0x0] =	vst.idx.msk vm15, v2  }
0xdb: {  	v10 =	vld [tilespmem:$0x20];
	_ =	sdelay $0x4  }
0xdc: {  	v10 =	vadd.s32 $0xFFFFFE10, v10  }
0xdd: {  	vm4 =	vgt.s32 v10, $0x0  }
0xde: {  	v11 =	vnsel vm4, $0x0, v10  }
0xdf: {  	v11 =	vmin.u32 v11, $0x1F7  }
0xe0: {  	vm5 =	vlt.u32 v10, $0x1F8;
	v10 =	vshll.u32 v11, $0x7  }
0xe1: {  	v10 =	vor.u32 v4, v10;
	_ =	sdelay $0x4  }
0xe2: {  	[tilespmem:v10+s12+$0x0] =	vst.idx.msk vm5, v2  }
0xe3: {  	v10 =	vld [tilespmem:$0x30];
	_ =	sdelay $0x4  }
0xe4: {  	v10 =	vadd.s32 $0xFFFFFE10, v10  }
0xe5: {  	vm6 =	vgt.s32 v10, $0x0  }
0xe6: {  	v11 =	vnsel vm6, $0x0, v10  }
0xe7: {  	v11 =	vmin.u32 v11, $0x1F7  }
0xe8: {  	vm7 =	vlt.u32 v10, $0x1F8;
	v10 =	vshll.u32 v11, $0x7  }
0xe9: {  	v10 =	vor.u32 v5, v10;
	_ =	sdelay $0x4  }
0xea: {  	[tilespmem:v10+s12+$0x0] =	vst.idx.msk vm7, v2  }
0xeb: {  	v10 =	vld [tilespmem:$0x40];
	_ =	sdelay $0x4  }
0xec: {  	v10 =	vadd.s32 $0xFFFFFE10, v10  }
0xed: {  	vm8 =	vgt.s32 v10, $0x0  }
0xee: {  	v11 =	vnsel vm8, $0x0, v10  }
0xef: {  	v11 =	vmin.u32 v11, $0x1F7  }
0xf0: {  	vm9 =	vlt.u32 v10, $0x1F8;
	v10 =	vshll.u32 v11, $0x7  }
0xf1: {  	v10 =	vor.u32 v6, v10;
	_ =	sdelay $0x4  }
0xf2: {  	[tilespmem:v10+s12+$0x0] =	vst.idx.msk vm9, v2  }
0xf3: {  	v10 =	vld [tilespmem:$0x50];
	_ =	sdelay $0x4  }
0xf4: {  	v10 =	vadd.s32 $0xFFFFFE10, v10  }
0xf5: {  	vm10 =	vgt.s32 v10, $0x0  }
0xf6: {  	v11 =	vnsel vm10, $0x0, v10  }
0xf7: {  	v11 =	vmin.u32 v11, $0x1F7  }
0xf8: {  	vm11 =	vlt.u32 v10, $0x1F8;
	v10 =	vshll.u32 v11, $0x7  }
0xf9: {  	v10 =	vor.u32 v7, v10;
	_ =	sdelay $0x4  }
0xfa: {  	[tilespmem:v10+s12+$0x0] =	vst.idx.msk vm11, v2  }
0xfb: {  	v10 =	vld [tilespmem:$0x60];
	_ =	sdelay $0x4  }
0xfc: {  	v10 =	vadd.s32 $0xFFFFFE10, v10  }
0xfd: {  	vm12 =	vgt.s32 v10, $0x0  }
0xfe: {  	v11 =	vnsel vm12, $0x0, v10  }
0xff: {  	v11 =	vmin.u32 v11, $0x1F7  }
0x100: {  	vm13 =	vlt.u32 v10, $0x1F8;
	v10 =	vshll.u32 v11, $0x7  }
0x101: {  	v10 =	vor.u32 v8, v10;
	_ =	sdelay $0x4  }
0x102: {  	[tilespmem:v10+s12+$0x0] =	vst.idx.msk vm13, v2  }
0x103: {  	v10 =	vld [tilespmem:$0x70];
	_ =	sdelay $0x4  }
0x104: {  	v10 =	vadd.s32 $0xFFFFFE10, v10  }
0x105: {  	vm14 =	vgt.s32 v10, $0x0  }
0x106: {  	v11 =	vnsel vm14, $0x0, v10  }
0x107: {  	v11 =	vmin.u32 v11, $0x1F7  }
0x108: {  	vm15 =	vlt.u32 v10, $0x1F8;
	v10 =	vshll.u32 v11, $0x7  }
0x109: {  	v10 =	vor.u32 v9, v10;
	_ =	sdelay $0x4  }
0x10a: {  	s16 =	simm.s32 $0xFFFFF680;
	s17 =	simm.s32 $0x80;
	[tilespmem:v10+s12+$0x0] =	vst.idx.msk vm15, v2  }
0x10b: {  	[hbm4b:s5+s10] =	stream.strided.scatter [tilespmem:s12], [sflag:$0x2], $0xFC00, s11, s10, $0x38;
	[tilespmem:$0x1FE00] =	vst v63  }
.LBB2_6:
0x10c: {  	_ =	swait.ge [sflag:s13], $0xF800  }
0x10d: {  	[sflag:s13] =	ssyncset.done $0x0  }
0x10e: {  	[sflag:s13] =	ssyncadd.s32 $0xFFFF0800  }
0x10f: {  	v10 =	vld [tilespmem:s17+$0xFFFFFF80];
	_ =	sdelay $0x4  }
0x110: {  	vm0 =	vgt.s32 v10, $0x0  }
0x111: {  	v11 =	vnsel vm0, $0x0, v10  }
0x112: {  	v11 =	vmin.u32 v11, $0x1EF  }
0x113: {  	vm13 =	vlt.u32 v10, $0x1F0;
	v10 =	vshll.u32 v11, $0x7  }
0x114: {  	v10 =	vor.u32 v0, v10;
	_ =	sdelay $0x4  }
0x115: {  	[tilespmem:v10+s9+$0x0] =	vst.idx.msk vm13, v1  }
0x116: {  	v10 =	vld [tilespmem:s17+$0xFFFFFF90];
	_ =	sdelay $0x4  }
0x117: {  	vm14 =	vgt.s32 v10, $0x0  }
0x118: {  	v11 =	vnsel vm14, $0x0, v10  }
0x119: {  	v11 =	vmin.u32 v11, $0x1EF  }
0x11a: {  	vm15 =	vlt.u32 v10, $0x1F0;
	v10 =	vshll.u32 v11, $0x7  }
0x11b: {  	v10 =	vor.u32 v3, v10;
	_ =	sdelay $0x4  }
0x11c: {  	[tilespmem:v10+s9+$0x0] =	vst.idx.msk vm15, v1  }
0x11d: {  	v10 =	vld [tilespmem:s17+$0xFFFFFFA0];
	_ =	sdelay $0x4  }
0x11e: {  	vm4 =	vgt.s32 v10, $0x0  }
0x11f: {  	v11 =	vnsel vm4, $0x0, v10  }
0x120: {  	v11 =	vmin.u32 v11, $0x1EF  }
0x121: {  	vm5 =	vlt.u32 v10, $0x1F0;
	v10 =	vshll.u32 v11, $0x7  }
0x122: {  	v10 =	vor.u32 v4, v10;
	_ =	sdelay $0x4  }
0x123: {  	[tilespmem:v10+s9+$0x0] =	vst.idx.msk vm5, v1  }
0x124: {  	v10 =	vld [tilespmem:s17+$0xFFFFFFB0];
	_ =	sdelay $0x4  }
0x125: {  	vm6 =	vgt.s32 v10, $0x0  }
0x126: {  	v11 =	vnsel vm6, $0x0, v10  }
0x127: {  	v11 =	vmin.u32 v11, $0x1EF  }
0x128: {  	vm7 =	vlt.u32 v10, $0x1F0;
	v10 =	vshll.u32 v11, $0x7  }
0x129: {  	v10 =	vor.u32 v5, v10;
	_ =	sdelay $0x4  }
0x12a: {  	[tilespmem:v10+s9+$0x0] =	vst.idx.msk vm7, v1  }
0x12b: {  	v10 =	vld [tilespmem:s17+$0xFFFFFFC0];
	_ =	sdelay $0x4  }
0x12c: {  	vm8 =	vgt.s32 v10, $0x0  }
0x12d: {  	v11 =	vnsel vm8, $0x0, v10  }
0x12e: {  	v11 =	vmin.u32 v11, $0x1EF  }
0x12f: {  	vm9 =	vlt.u32 v10, $0x1F0;
	v10 =	vshll.u32 v11, $0x7  }
0x130: {  	v10 =	vor.u32 v6, v10;
	_ =	sdelay $0x4  }
0x131: {  	[tilespmem:v10+s9+$0x0] =	vst.idx.msk vm9, v1  }
0x132: {  	v10 =	vld [tilespmem:s17+$0xFFFFFFD0];
	_ =	sdelay $0x4  }
0x133: {  	vm10 =	vgt.s32 v10, $0x0  }
0x134: {  	v11 =	vnsel vm10, $0x0, v10  }
0x135: {  	v11 =	vmin.u32 v11, $0x1EF  }
0x136: {  	vm11 =	vlt.u32 v10, $0x1F0;
	v10 =	vshll.u32 v11, $0x7  }
0x137: {  	v10 =	vor.u32 v7, v10;
	_ =	sdelay $0x4  }
0x138: {  	[tilespmem:v10+s9+$0x0] =	vst.idx.msk vm11, v1  }
0x139: {  	v10 =	vld [tilespmem:s17+$0xFFFFFFE0];
	_ =	sdelay $0x4  }
0x13a: {  	vm12 =	vgt.s32 v10, $0x0  }
0x13b: {  	v11 =	vnsel vm12, $0x0, v10  }
0x13c: {  	v11 =	vmin.u32 v11, $0x1EF  }
0x13d: {  	vm13 =	vlt.u32 v10, $0x1F0;
	v10 =	vshll.u32 v11, $0x7  }
0x13e: {  	v10 =	vor.u32 v8, v10;
	_ =	sdelay $0x4  }
0x13f: {  	[tilespmem:v10+s9+$0x0] =	vst.idx.msk vm13, v1  }
0x140: {  	v10 =	vld [tilespmem:s17+$0xFFFFFFF0];
	_ =	sdelay $0x4  }
0x141: {  	vm14 =	vgt.s32 v10, $0x0  }
0x142: {  	v11 =	vnsel vm14, $0x0, v10  }
0x143: {  	v11 =	vmin.u32 v11, $0x1EF  }
0x144: {  	vm15 =	vlt.u32 v10, $0x1F0;
	v10 =	vshll.u32 v11, $0x7  }
0x145: {  	v10 =	vor.u32 v9, v10;
	_ =	sdelay $0x4  }
0x146: {  	[tilespmem:v10+s9+$0x0] =	vst.idx.msk vm15, v1  }
0x147: {  	v10 =	vld [tilespmem:s17+$0x0];
	_ =	sdelay $0x4  }
0x148: {  	vm4 =	vgt.s32 v10, $0x0  }
0x149: {  	v11 =	vnsel vm4, $0x0, v10  }
0x14a: {  	v11 =	vmin.u32 v11, $0x1EF  }
0x14b: {  	vm5 =	vlt.u32 v10, $0x1F0;
	v10 =	vshll.u32 v11, $0x7  }
0x14c: {  	v10 =	vor.u32 v0, v10;
	_ =	sdelay $0x4  }
0x14d: {  	[tilespmem:v10+s9+$0x0] =	vst.idx.msk vm5, v2  }
0x14e: {  	v10 =	vld [tilespmem:s17+$0x10];
	_ =	sdelay $0x4  }
0x14f: {  	vm6 =	vgt.s32 v10, $0x0  }
0x150: {  	v11 =	vnsel vm6, $0x0, v10  }
0x151: {  	v11 =	vmin.u32 v11, $0x1EF  }
0x152: {  	vm7 =	vlt.u32 v10, $0x1F0;
	v10 =	vshll.u32 v11, $0x7  }
0x153: {  	v10 =	vor.u32 v3, v10;
	_ =	sdelay $0x4  }
0x154: {  	[tilespmem:v10+s9+$0x0] =	vst.idx.msk vm7, v2  }
0x155: {  	v10 =	vld [tilespmem:s17+$0x20];
	_ =	sdelay $0x4  }
0x156: {  	vm8 =	vgt.s32 v10, $0x0  }
0x157: {  	v11 =	vnsel vm8, $0x0, v10  }
0x158: {  	v11 =	vmin.u32 v11, $0x1EF  }
0x159: {  	vm9 =	vlt.u32 v10, $0x1F0;
	v10 =	vshll.u32 v11, $0x7  }
0x15a: {  	v10 =	vor.u32 v4, v10;
	_ =	sdelay $0x4  }
0x15b: {  	[tilespmem:v10+s9+$0x0] =	vst.idx.msk vm9, v2  }
0x15c: {  	v10 =	vld [tilespmem:s17+$0x30];
	_ =	sdelay $0x4  }
0x15d: {  	vm10 =	vgt.s32 v10, $0x0  }
0x15e: {  	v11 =	vnsel vm10, $0x0, v10  }
0x15f: {  	v11 =	vmin.u32 v11, $0x1EF  }
0x160: {  	vm11 =	vlt.u32 v10, $0x1F0;
	v10 =	vshll.u32 v11, $0x7  }
0x161: {  	v10 =	vor.u32 v5, v10;
	_ =	sdelay $0x4  }
0x162: {  	[tilespmem:v10+s9+$0x0] =	vst.idx.msk vm11, v2  }
0x163: {  	v10 =	vld [tilespmem:s17+$0x40];
	_ =	sdelay $0x4  }
0x164: {  	vm12 =	vgt.s32 v10, $0x0  }
0x165: {  	v11 =	vnsel vm12, $0x0, v10  }
0x166: {  	v11 =	vmin.u32 v11, $0x1EF  }
0x167: {  	vm13 =	vlt.u32 v10, $0x1F0;
	v10 =	vshll.u32 v11, $0x7  }
0x168: {  	v10 =	vor.u32 v6, v10;
	_ =	sdelay $0x4  }
0x169: {  	[tilespmem:v10+s9+$0x0] =	vst.idx.msk vm13, v2  }
0x16a: {  	v10 =	vld [tilespmem:s17+$0x50];
	_ =	sdelay $0x4  }
0x16b: {  	vm14 =	vgt.s32 v10, $0x0  }
0x16c: {  	v11 =	vnsel vm14, $0x0, v10  }
0x16d: {  	v11 =	vmin.u32 v11, $0x1EF  }
0x16e: {  	vm15 =	vlt.u32 v10, $0x1F0;
	v10 =	vshll.u32 v11, $0x7  }
0x16f: {  	v10 =	vor.u32 v7, v10;
	_ =	sdelay $0x4  }
0x170: {  	[tilespmem:v10+s9+$0x0] =	vst.idx.msk vm15, v2  }
0x171: {  	v10 =	vld [tilespmem:s17+$0x60];
	_ =	sdelay $0x4  }
0x172: {  	vm4 =	vgt.s32 v10, $0x0  }
0x173: {  	v11 =	vnsel vm4, $0x0, v10  }
0x174: {  	v11 =	vmin.u32 v11, $0x1EF  }
0x175: {  	vm5 =	vlt.u32 v10, $0x1F0;
	v10 =	vshll.u32 v11, $0x7  }
0x176: {  	v10 =	vor.u32 v8, v10;
	_ =	sdelay $0x4  }
0x177: {  	[tilespmem:v10+s9+$0x0] =	vst.idx.msk vm5, v2  }
0x178: {  	v10 =	vld [tilespmem:s17+$0x70];
	_ =	sdelay $0x4  }
0x179: {  	vm6 =	vgt.s32 v10, $0x0  }
0x17a: {  	v11 =	vnsel vm6, $0x0, v10  }
0x17b: {  	v11 =	vmin.u32 v11, $0x1EF  }
0x17c: {  	vm7 =	vlt.u32 v10, $0x1F0;
	v10 =	vshll.u32 v11, $0x7  }
0x17d: {  	v10 =	vor.u32 v9, v10;
	_ =	sdelay $0x3  }
0x17e: {  	s18 =	sadd.s32 s16, s7  }
0x17f: {  	s19 =	sadd.s32 $0xA00, s18;
	[tilespmem:v10+s9+$0x0] =	vst.idx.msk vm7, v2  }
0x180: {  	[hbm4b:s19+s10] =	stream.strided.scatter [tilespmem:s9], [sflag:$0x1], $0xF800, s11, s10, $0x38;
	[tilespmem:$0x1FE00] =	vst v63  }
0x181: {  	_ =	swait.ge [sflag:s14], $0xFC00  }
0x182: {  	[sflag:s14] =	ssyncset.done $0x0  }
0x183: {  	[sflag:s14] =	ssyncadd.s32 $0xFFFF0400  }
0x184: {  	v10 =	vld [tilespmem:s17+$0xFFFFFF80];
	_ =	sdelay $0x4  }
0x185: {  	v10 =	vadd.s32 $0xFFFFFE10, v10  }
0x186: {  	vm8 =	vgt.s32 v10, $0x0  }
0x187: {  	v11 =	vnsel vm8, $0x0, v10  }
0x188: {  	v11 =	vmin.u32 v11, $0x1F7  }
0x189: {  	vm9 =	vlt.u32 v10, $0x1F8;
	v10 =	vshll.u32 v11, $0x7  }
0x18a: {  	v10 =	vor.u32 v0, v10;
	_ =	sdelay $0x4  }
0x18b: {  	[tilespmem:v10+s12+$0x0] =	vst.idx.msk vm9, v1  }
0x18c: {  	v10 =	vld [tilespmem:s17+$0xFFFFFF90];
	_ =	sdelay $0x4  }
0x18d: {  	v10 =	vadd.s32 $0xFFFFFE10, v10  }
0x18e: {  	vm10 =	vgt.s32 v10, $0x0  }
0x18f: {  	v11 =	vnsel vm10, $0x0, v10  }
0x190: {  	v11 =	vmin.u32 v11, $0x1F7  }
0x191: {  	vm11 =	vlt.u32 v10, $0x1F8;
	v10 =	vshll.u32 v11, $0x7  }
0x192: {  	v10 =	vor.u32 v3, v10;
	_ =	sdelay $0x4  }
0x193: {  	[tilespmem:v10+s12+$0x0] =	vst.idx.msk vm11, v1  }
0x194: {  	v10 =	vld [tilespmem:s17+$0xFFFFFFA0];
	_ =	sdelay $0x4  }
0x195: {  	v10 =	vadd.s32 $0xFFFFFE10, v10  }
0x196: {  	vm12 =	vgt.s32 v10, $0x0  }
0x197: {  	v11 =	vnsel vm12, $0x0, v10  }
0x198: {  	v11 =	vmin.u32 v11, $0x1F7  }
0x199: {  	vm13 =	vlt.u32 v10, $0x1F8;
	v10 =	vshll.u32 v11, $0x7  }
0x19a: {  	v10 =	vor.u32 v4, v10;
	_ =	sdelay $0x4  }
0x19b: {  	[tilespmem:v10+s12+$0x0] =	vst.idx.msk vm13, v1  }
0x19c: {  	v10 =	vld [tilespmem:s17+$0xFFFFFFB0];
	_ =	sdelay $0x4  }
0x19d: {  	v10 =	vadd.s32 $0xFFFFFE10, v10  }
0x19e: {  	vm14 =	vgt.s32 v10, $0x0  }
0x19f: {  	v11 =	vnsel vm14, $0x0, v10  }
0x1a0: {  	v11 =	vmin.u32 v11, $0x1F7  }
0x1a1: {  	vm15 =	vlt.u32 v10, $0x1F8;
	v10 =	vshll.u32 v11, $0x7  }
0x1a2: {  	v10 =	vor.u32 v5, v10;
	_ =	sdelay $0x4  }
0x1a3: {  	[tilespmem:v10+s12+$0x0] =	vst.idx.msk vm15, v1  }
0x1a4: {  	v10 =	vld [tilespmem:s17+$0xFFFFFFC0];
	_ =	sdelay $0x4  }
0x1a5: {  	v10 =	vadd.s32 $0xFFFFFE10, v10  }
0x1a6: {  	vm4 =	vgt.s32 v10, $0x0  }
0x1a7: {  	v11 =	vnsel vm4, $0x0, v10  }
0x1a8: {  	v11 =	vmin.u32 v11, $0x1F7  }
0x1a9: {  	vm5 =	vlt.u32 v10, $0x1F8;
	v10 =	vshll.u32 v11, $0x7  }
0x1aa: {  	v10 =	vor.u32 v6, v10;
	_ =	sdelay $0x4  }
0x1ab: {  	[tilespmem:v10+s12+$0x0] =	vst.idx.msk vm5, v1  }
0x1ac: {  	v10 =	vld [tilespmem:s17+$0xFFFFFFD0];
	_ =	sdelay $0x4  }
0x1ad: {  	v10 =	vadd.s32 $0xFFFFFE10, v10  }
0x1ae: {  	vm6 =	vgt.s32 v10, $0x0  }
0x1af: {  	v11 =	vnsel vm6, $0x0, v10  }
0x1b0: {  	v11 =	vmin.u32 v11, $0x1F7  }
0x1b1: {  	vm7 =	vlt.u32 v10, $0x1F8;
	v10 =	vshll.u32 v11, $0x7  }
0x1b2: {  	v10 =	vor.u32 v7, v10;
	_ =	sdelay $0x4  }
0x1b3: {  	[tilespmem:v10+s12+$0x0] =	vst.idx.msk vm7, v1  }
0x1b4: {  	v10 =	vld [tilespmem:s17+$0xFFFFFFE0];
	_ =	sdelay $0x4  }
0x1b5: {  	v10 =	vadd.s32 $0xFFFFFE10, v10  }
0x1b6: {  	vm8 =	vgt.s32 v10, $0x0  }
0x1b7: {  	v11 =	vnsel vm8, $0x0, v10  }
0x1b8: {  	v11 =	vmin.u32 v11, $0x1F7  }
0x1b9: {  	vm9 =	vlt.u32 v10, $0x1F8;
	v10 =	vshll.u32 v11, $0x7  }
0x1ba: {  	v10 =	vor.u32 v8, v10;
	_ =	sdelay $0x4  }
0x1bb: {  	[tilespmem:v10+s12+$0x0] =	vst.idx.msk vm9, v1  }
0x1bc: {  	v10 =	vld [tilespmem:s17+$0xFFFFFFF0];
	_ =	sdelay $0x4  }
0x1bd: {  	v10 =	vadd.s32 $0xFFFFFE10, v10  }
0x1be: {  	vm10 =	vgt.s32 v10, $0x0  }
0x1bf: {  	v11 =	vnsel vm10, $0x0, v10  }
0x1c0: {  	v11 =	vmin.u32 v11, $0x1F7  }
0x1c1: {  	vm11 =	vlt.u32 v10, $0x1F8;
	v10 =	vshll.u32 v11, $0x7  }
0x1c2: {  	v10 =	vor.u32 v9, v10;
	_ =	sdelay $0x4  }
0x1c3: {  	[tilespmem:v10+s12+$0x0] =	vst.idx.msk vm11, v1  }
0x1c4: {  	v10 =	vld [tilespmem:s17+$0x0];
	_ =	sdelay $0x4  }
0x1c5: {  	v10 =	vadd.s32 $0xFFFFFE10, v10  }
0x1c6: {  	vm12 =	vgt.s32 v10, $0x0  }
0x1c7: {  	v11 =	vnsel vm12, $0x0, v10  }
0x1c8: {  	v11 =	vmin.u32 v11, $0x1F7  }
0x1c9: {  	vm13 =	vlt.u32 v10, $0x1F8;
	v10 =	vshll.u32 v11, $0x7  }
0x1ca: {  	v10 =	vor.u32 v0, v10;
	_ =	sdelay $0x4  }
0x1cb: {  	[tilespmem:v10+s12+$0x0] =	vst.idx.msk vm13, v2  }
0x1cc: {  	v10 =	vld [tilespmem:s17+$0x10];
	_ =	sdelay $0x4  }
0x1cd: {  	v10 =	vadd.s32 $0xFFFFFE10, v10  }
0x1ce: {  	vm14 =	vgt.s32 v10, $0x0  }
0x1cf: {  	v11 =	vnsel vm14, $0x0, v10  }
0x1d0: {  	v11 =	vmin.u32 v11, $0x1F7  }
0x1d1: {  	vm15 =	vlt.u32 v10, $0x1F8;
	v10 =	vshll.u32 v11, $0x7  }
0x1d2: {  	v10 =	vor.u32 v3, v10;
	_ =	sdelay $0x4  }
0x1d3: {  	[tilespmem:v10+s12+$0x0] =	vst.idx.msk vm15, v2  }
0x1d4: {  	v10 =	vld [tilespmem:s17+$0x20];
	_ =	sdelay $0x4  }
0x1d5: {  	v10 =	vadd.s32 $0xFFFFFE10, v10  }
0x1d6: {  	vm4 =	vgt.s32 v10, $0x0  }
0x1d7: {  	v11 =	vnsel vm4, $0x0, v10  }
0x1d8: {  	v11 =	vmin.u32 v11, $0x1F7  }
0x1d9: {  	vm5 =	vlt.u32 v10, $0x1F8;
	v10 =	vshll.u32 v11, $0x7  }
0x1da: {  	v10 =	vor.u32 v4, v10;
	_ =	sdelay $0x4  }
0x1db: {  	[tilespmem:v10+s12+$0x0] =	vst.idx.msk vm5, v2  }
0x1dc: {  	v10 =	vld [tilespmem:s17+$0x30];
	_ =	sdelay $0x4  }
0x1dd: {  	v10 =	vadd.s32 $0xFFFFFE10, v10  }
0x1de: {  	vm6 =	vgt.s32 v10, $0x0  }
0x1df: {  	v11 =	vnsel vm6, $0x0, v10  }
0x1e0: {  	v11 =	vmin.u32 v11, $0x1F7  }
0x1e1: {  	vm7 =	vlt.u32 v10, $0x1F8;
	v10 =	vshll.u32 v11, $0x7  }
0x1e2: {  	v10 =	vor.u32 v5, v10;
	_ =	sdelay $0x4  }
0x1e3: {  	[tilespmem:v10+s12+$0x0] =	vst.idx.msk vm7, v2  }
0x1e4: {  	v10 =	vld [tilespmem:s17+$0x40];
	_ =	sdelay $0x4  }
0x1e5: {  	v10 =	vadd.s32 $0xFFFFFE10, v10  }
0x1e6: {  	vm8 =	vgt.s32 v10, $0x0  }
0x1e7: {  	v11 =	vnsel vm8, $0x0, v10  }
0x1e8: {  	v11 =	vmin.u32 v11, $0x1F7  }
0x1e9: {  	vm9 =	vlt.u32 v10, $0x1F8;
	v10 =	vshll.u32 v11, $0x7  }
0x1ea: {  	v10 =	vor.u32 v6, v10;
	_ =	sdelay $0x4  }
0x1eb: {  	[tilespmem:v10+s12+$0x0] =	vst.idx.msk vm9, v2  }
0x1ec: {  	v10 =	vld [tilespmem:s17+$0x50];
	_ =	sdelay $0x4  }
0x1ed: {  	v10 =	vadd.s32 $0xFFFFFE10, v10  }
0x1ee: {  	vm10 =	vgt.s32 v10, $0x0  }
0x1ef: {  	v11 =	vnsel vm10, $0x0, v10  }
0x1f0: {  	v11 =	vmin.u32 v11, $0x1F7  }
0x1f1: {  	vm11 =	vlt.u32 v10, $0x1F8;
	v10 =	vshll.u32 v11, $0x7  }
0x1f2: {  	v10 =	vor.u32 v7, v10;
	_ =	sdelay $0x4  }
0x1f3: {  	[tilespmem:v10+s12+$0x0] =	vst.idx.msk vm11, v2  }
0x1f4: {  	v10 =	vld [tilespmem:s17+$0x60];
	_ =	sdelay $0x4  }
0x1f5: {  	v10 =	vadd.s32 $0xFFFFFE10, v10  }
0x1f6: {  	vm12 =	vgt.s32 v10, $0x0  }
0x1f7: {  	v11 =	vnsel vm12, $0x0, v10  }
0x1f8: {  	v11 =	vmin.u32 v11, $0x1F7  }
0x1f9: {  	vm13 =	vlt.u32 v10, $0x1F8;
	v10 =	vshll.u32 v11, $0x7  }
0x1fa: {  	v10 =	vor.u32 v8, v10;
	_ =	sdelay $0x4  }
0x1fb: {  	[tilespmem:v10+s12+$0x0] =	vst.idx.msk vm13, v2  }
0x1fc: {  	v10 =	vld [tilespmem:s17+$0x70];
	_ =	sdelay $0x4  }
0x1fd: {  	v10 =	vadd.s32 $0xFFFFFE10, v10  }
0x1fe: {  	vm14 =	vgt.s32 v10, $0x0  }
0x1ff: {  	v11 =	vnsel vm14, $0x0, v10  }
0x200: {  	v11 =	vmin.u32 v11, $0x1F7  }
0x201: {  	vm15 =	vlt.u32 v10, $0x1F8;
	v10 =	vshll.u32 v11, $0x7  }
0x202: {  	v10 =	vor.u32 v9, v10  }
0x203: {  	p0 =	sne.s32 s16, $0xFFFFFF80  }
.Ltmp2:
0x204: {  	_ = 	snop;
	(pc) =	sbr.rel @p0 .LBB2_6-.Ltmp2, $3  }
0x205: {  	_ =	sdelay $0x1  }
0x206: {  	s16 =	sadd.s32 $0x80, s16;
	s18 =	sadd.s32 $0x4D8A00, s18;
	s17 =	sadd.s32 $0x80, s17;
	[tilespmem:v10+s12+$0x0] =	vst.idx.msk vm15, v2  }
0x207: {  	[hbm4b:s18+s10] =	stream.strided.scatter [tilespmem:s12], [sflag:$0x2], $0xFC00, s11, s10, $0x38;
	[tilespmem:$0x1FE00] =	vst v63  }
0x208: {  	s15 =	sadd.s32 $0x1, s15  }
0x209: {  	_ =	swait.ge [sflag:s13], $0xF800;
	p0 =	sne.s32 s15, s6  }
.Ltmp3:
0x20a: {  	[sflag:s13] =	ssyncset.done $0x0;
	(pc) =	sbr.rel @p0 .LBB2_1-.Ltmp3, $4  }
0x20b: {  	[sflag:s13] =	ssyncadd.s32 $0xFFFF0800  }
0x20c: {  	_ =	swait.ge [sflag:s14], $0xFC00  }
0x20d: {  	[sflag:s14] =	ssyncset.done $0x0  }
0x20e: {  	[sflag:s14] =	ssyncadd.s32 $0xFFFF0400  }
0x20f: {  	_ =	sfence.sel $0x180000  }
0x210: {  	[bflag:$0x0] =	sbarrier.arrive $0xFFFF  }
0x211: {  	p0 =	sne.s32 s0, $0x0;
	_ =	strace $0x90000047  }
0x212: {  	s0 =	sadd.s32 @!p0 $0x100000, s1;
	[bflag:$0x2] =	sbarrier.arrive $0xFFFF  }
0x213: {  	[sflag:s0] =	ssyncadd.tile.s32 @!p0 $0x1;
	_ =	shalt  }
.Lfunc_end2:
_tile_overlayer_lowered:
.L_overlay_start_2:
0x214: {  	(tag) =	ssettag $0x2  }
0x215: {  	s0 =	rddreg [dreg:$0x0];
	s2 =	stileid.u32  }
0x216: {  	s1 =	rddreg [dreg:$0x1];
	p0 =	sne.s32 s2, $0x0  }
0x217: {  	s3 =	rddreg [dreg:$0x2];
	[bflag:$0x3] =	sbarrier.arrive $0xFFFF;
	s2 =	simm.s32 @!p0 $0x1C04  }
0x218: {  	[timem:s3], [sflag:s2] =	dma.local @!p0 [hbm:s0], s1  }
0x219: {  	s0 =	simm.s32 @!p0 $0x4  }
0x21a: {  	_ =	swait.ge @!p0 [sflag:s0], s1  }
0x21b: {  	s1 =	ssub.s32 @!p0 $0x0, s1;
	[sflag:s0] =	ssyncset.done @!p0 $0x0  }
0x21c: {  	[sflag:s0] =	ssyncadd.s32 @!p0 s1  }
0x21d: {  	[bflag:$0x3] =	sbarrier.arrive $0xFFFF  }
0x21e: {  	_ =	shalt  }

</sc_bundles>
